<compile_context>
chip_gen: v7x
topology: tpu7x:2x2x1
jax: 0.10.2.dev20260603
libtpu: 0.0.44.dev20260713+nightly
codegen_flags: <defaults>
</compile_context>

<pallas_src>
import functools

import jax
import jax.numpy as jnp
from jax import lax
from jax.experimental import pallas as pl
from jax.experimental.pallas import tpu as pltpu
from jax.experimental.pallas import tpu_sc as plsc

B = 512
C = 64
NLOUT = 16
L = 16
P3 = 4
P2 = 2
P1 = 1
QUAD = 8
NQ = B // QUAD
W = QUAD * C

def _tc_body(xq_ref, w3_ref, w2_ref, w1_ref, u3_ref, u2_ref, u1_ref, out_ref):
    def one(q):
        xq = xq_ref[q]
        w3 = w3_ref[q]
        w2 = w2_ref[q]
        w1 = w1_ref[q]

        t = u1_ref[:, :] * w1

        xx = jnp.concatenate(
            [xq * xq[j:j + 1, :] for j in range(L)], axis=0
        ).astype(jnp.bfloat16)
        for p in range(P3):
            t = t + jnp.dot(u3_ref[p], xx,
                            preferred_element_type=jnp.float32) * w3[p:p + 1, :]

        zw2 = jnp.concatenate([xq * w2[p:p + 1, :] for p in range(P2)], axis=0)
        t = t + jnp.dot(u2_ref[:, :], zw2, preferred_element_type=jnp.float32)

        acc = t[0:L, :] * xq[0:1, :]
        for i in range(1, L):
            acc = acc + t[i * L:(i + 1) * L, :] * xq[i:i + 1, :]
        out_ref[q] = acc

    def step(qq, carry):
        for h in range(8):
            one(qq * 8 + h)
        return carry

    lax.fori_loop(0, NQ // 8, step, 0)


def _sc_weight_gather(table, idx):
    V, D = table.shape
    nb = B // 32
    mesh = plsc.VectorSubcoreMesh(core_axis_name="c", subcore_axis_name="s")

    @functools.partial(
        pl.kernel, mesh=mesh,
        out_type=jax.ShapeDtypeStruct((B, D), jnp.float32),
        scratch_types=[
            pltpu.VMEM((nb,), jnp.int32),
            pltpu.VMEM((nb, D), jnp.float32),
            pltpu.SemaphoreType.DMA,
        ],
    )
    def gather_k(table_hbm, idx_hbm, out_hbm, idx_v, rows_v, sem):
        wid = lax.axis_index("s") * 2 + lax.axis_index("c")
        base = wid * nb
        pltpu.sync_copy(idx_hbm.at[pl.ds(base, nb)], idx_v)
        pltpu.async_copy(table_hbm.at[idx_v], rows_v, sem).wait()
        pltpu.sync_copy(rows_v, out_hbm.at[pl.ds(base, nb)])

    return gather_k(table, idx)


def kernel(x, atom_types, U3, U2, U1, W3, W2, W1):
    table = jnp.concatenate(
        [W3.reshape(W3.shape[0], P3 * C),
         W2.reshape(W2.shape[0], P2 * C),
         W1.reshape(W1.shape[0], P1 * C),
         jnp.zeros((W1.shape[0], C), jnp.float32)], axis=1)
    gathered = _sc_weight_gather(table, atom_types)

    def quad_cols(a):
        n = a.shape[1]
        return a.reshape(NQ, QUAD, n, C).transpose(0, 2, 1, 3).reshape(NQ, n, W)

    xq = quad_cols(x)
    wq = quad_cols(gathered.reshape(B, 8, C))
    w3q = wq[:, 0:P3, :]
    w2q = wq[:, P3:P3 + P2, :]
    w1q = wq[:, P3 + P2:P3 + P2 + P1, :]

    u3t = (U3.transpose(4, 1, 0, 2, 3)
           .reshape(P3, NLOUT * L, L * L).astype(jnp.bfloat16))

    u2r = U2.transpose(1, 0, 3, 2).reshape(NLOUT * L, P2 * L)
    u1v = U1.transpose(1, 0, 2).reshape(NLOUT * L, P1)

    vm = pl.BlockSpec(memory_space=pltpu.VMEM)
    out = pl.pallas_call(
        _tc_body,
        in_specs=[vm] * 7,
        out_specs=vm,
        out_shape=jax.ShapeDtypeStruct((NQ, NLOUT, W), jnp.float32),
    )(xq, w3q, w2q, w1q, u3t, u2r, u1v)

    return out.reshape(NQ, NLOUT, QUAD, C).transpose(0, 2, 1, 3).reshape(B, NLOUT, C)

# --- scband reference (transcript-rebuilt; emitter-appended) ---
"""Pipeline reference for scband-symmetric-contraction-23373212025193 (READ-ONLY COPY).

The authoritative reference and input builder live on the scoring server;
editing this copy changes nothing except your own understanding.
"""

import jax, jax.numpy as jnp
import numpy as np

B = 512      # n_atoms
C = 64       # channels (multiple of 32)
NLOUT = 16   # (lmax_out+1)**2
L = 16       # (lmax_in+1)**2, module asserts x.shape[1] == 16
P3 = 4       # num correlation-3 paths (approx)
P2 = 2       # num correlation-2 paths (approx)
P1 = 1       # num correlation-1 paths (approx)
NEL = 10     # num chemical elements


def setup_inputs(seed: int = 0) -> dict:
    key = jax.random.key(seed)
    ks = jax.random.split(key, 12)
    x = jax.random.normal(ks[0], (B, L, C), dtype=jnp.float32)
    atom_types = jax.random.randint(ks[1], (B,), 0, NEL, dtype=jnp.int32)
    # Sparse Clebsch-Gordan-like U tensors (constants, not learned). The real module
    # precomputes these from e3nn U_matrix_real and stores them in compressed sparse
    # form; here we use random tensors with matching sparsity pattern density.
    U3 = jax.random.normal(ks[2], (NLOUT, L, L, L, P3), dtype=jnp.float32)
    U3 = U3 * (jax.random.uniform(ks[3], (NLOUT, L, L, L, P3)) < 0.05).astype(jnp.float32)
    U2 = jax.random.normal(ks[4], (NLOUT, L, L, P2), dtype=jnp.float32)
    U2 = U2 * (jax.random.uniform(ks[5], (NLOUT, L, L, P2)) < 0.10).astype(jnp.float32)
    U1 = jax.random.normal(ks[6], (NLOUT, L, P1), dtype=jnp.float32)
    U1 = U1 * (jax.random.uniform(ks[7], (NLOUT, L, P1)) < 0.20).astype(jnp.float32)
    # Learned per-element weights (W_tensors in the torch module)
    W3 = jax.random.normal(ks[8], (NEL, P3, C), dtype=jnp.float32) * 0.1
    W2 = jax.random.normal(ks[9], (NEL, P2, C), dtype=jnp.float32) * 0.1
    W1 = jax.random.normal(ks[10], (NEL, P1, C), dtype=jnp.float32) * 0.1
    return {"x": x, "atom_types": atom_types, "U3": U3, "U2": U2, "U1": U1,
            "W3": W3, "W2": W2, "W1": W1}


def _symm_contract(x, U3, U2, U1, W3g, W2g, W1g):
    # MACE symmetric contraction, correlation=3 (equation_main / weighting / contract):
    #   out3 = einsum('...ik,ekc,bci,be->bc...', U3, W3, x, onehot)
    #   c2   = einsum('...k,ekc,be->bc...', U2, W2, onehot); out2 = einsum('bc...i,bci->bc...', c2+out3, x)
    #   c1   = einsum('...k,ekc,be->bc...', U1, W1, onehot); out  = einsum('bc...i,bci->bc...', c1+out2, x)
    # The onehot @ W contraction is replaced by an equivalent gather W[atom_types].
    outs = []
    for l in range(U3.shape[0]):
        t = jnp.einsum('ijkp,bkc->ijpbc', U3[l], x)
        t3 = jnp.einsum('ijpbc,bpc->bcij', t, W3g)
        c2 = jnp.einsum('ijp,bpc->bcij', U2[l], W2g)
        t2 = jnp.einsum('bcij,bjc->bci', t3 + c2, x)
        c1 = jnp.einsum('ip,bpc->bci', U1[l], W1g)
        outs.append(jnp.einsum('bci,bic->bc', t2 + c1, x))
    return jnp.stack(outs, axis=1)  # [B, NLOUT, C]


def reference(x, atom_types, U3, U2, U1, W3, W2, W1):
    W3g = jnp.take(W3, atom_types, axis=0)
    W2g = jnp.take(W2, atom_types, axis=0)
    W1g = jnp.take(W1, atom_types, axis=0)
    return _symm_contract(x, U3, U2, U1, W3g, W2g, W1g)

if __name__ == "__main__":
    import jax
    _d = setup_inputs()
    print(jax.jit(kernel)(*tuple(_d.values())))

</pallas_src>

<mosaic_0001>
#map = affine_map<(d0, d1) -> (0, 0)>
#map1 = affine_map<(d0, d1) -> (0)>
module attributes {stable_mosaic.version = 14 : i64} {
  func.func @gather_k(%arg0: i32, %arg1: i32, %arg2: memref<10x512xf32, #tpu.memory_space<hbm>>, %arg3: memref<512xi32, #tpu.memory_space<hbm>>, %arg4: memref<512x512xf32, #tpu.memory_space<hbm>>, %arg5: memref<16xi32, #tpu.memory_space<vmem>>, %arg6: memref<16x512xf32, #tpu.memory_space<vmem>>, %arg7: memref<!tpu.dma_semaphore, #tpu.memory_space<semaphore_mem>>) attributes {dimension_semantics = [#tpu.dimension_semantics<core_parallel>, #tpu.dimension_semantics<subcore_parallel>], iteration_bounds = array<i64: 2, 16>, scalar_prefetch = 0 : i64, scratch_operands = 3 : i64, tpu.core_type = #tpu.core_type<sc_vector_subcore>, window_params = [{transform_indices = #map}, {transform_indices = #map1}, {transform_indices = #map}]} {
    %mul3A = arith.constant 2 : i32
    %mul3A_0 = arith.muli %arg1, %mul3A : i32
    %add3A = arith.addi %mul3A_0, %arg0 : i32
    %mul3A_1 = arith.constant 16 : i32
    %mul3A_2 = arith.muli %add3A, %mul3A_1 : i32
    "tpu.region"() ({
      %run_scoped3A = tpu.sem_alloc : memref<!tpu.dma_semaphore, #tpu.memory_space<semaphore_mem>>
      %dma_start3A_7 = tpu.memref_slice %arg3[%mul3A_2] : memref<512xi32, #tpu.memory_space<hbm>> -> memref<16xi32, #tpu.memory_space<hbm>>
      %dma_start3A_8 = tpu.memref_slice %arg3[%mul3A_2] : memref<512xi32, #tpu.memory_space<hbm>> -> memref<16xi32, #tpu.memory_space<hbm>>
      tpu.enqueue_dma source(%dma_start3A_8 : memref<16xi32, #tpu.memory_space<hbm>>) target(%arg5 : memref<16xi32, #tpu.memory_space<vmem>>) target_semaphore(%run_scoped3A : memref<!tpu.dma_semaphore, #tpu.memory_space<semaphore_mem>>)
      %dma_wait3A_9 = tpu.memref_slice %arg3[%mul3A_2] : memref<512xi32, #tpu.memory_space<hbm>> -> memref<16xi32, #tpu.memory_space<hbm>>
      %dma_wait3A_10 = tpu.memref_slice %arg3[%mul3A_2] : memref<512xi32, #tpu.memory_space<hbm>> -> memref<16xi32, #tpu.memory_space<hbm>>
      tpu.wait_dma2 semaphore(%run_scoped3A : memref<!tpu.dma_semaphore, #tpu.memory_space<semaphore_mem>>) src(%dma_wait3A_10 : memref<16xi32, #tpu.memory_space<hbm>>) dst(%arg5 : memref<16xi32, #tpu.memory_space<vmem>>)
      tpu.yield
    }) : () -> ()
    %dma_start3A = arith.constant 0 : i32
    %dma_start3A_3 = arith.constant 0 : i32
    %dma_start3A_4 = tpu.memref_slice %arg2[%dma_start3A, %dma_start3A_3] : memref<10x512xf32, #tpu.memory_space<hbm>> -> memref<10x512xf32, #tpu.memory_space<hbm>>
    tpu.enqueue_indirect_dma source(%dma_start3A_4 : memref<10x512xf32, #tpu.memory_space<hbm>>) target(%arg6 : memref<16x512xf32, #tpu.memory_space<vmem>>) offsets(%arg5 : memref<16xi32, #tpu.memory_space<vmem>>) semaphore(%arg7 : memref<!tpu.dma_semaphore, #tpu.memory_space<semaphore_mem>>)
    %dma_wait3A = arith.constant 0 : i32
    %dma_wait3A_5 = arith.constant 0 : i32
    %dma_wait3A_6 = tpu.memref_slice %arg2[%dma_wait3A, %dma_wait3A_5] : memref<10x512xf32, #tpu.memory_space<hbm>> -> memref<10x512xf32, #tpu.memory_space<hbm>>
    tpu.wait_indirect_dma semaphore(%arg7 : memref<!tpu.dma_semaphore, #tpu.memory_space<semaphore_mem>>) src(%dma_wait3A_6 : memref<10x512xf32, #tpu.memory_space<hbm>>) dst(%arg6 : memref<16x512xf32, #tpu.memory_space<vmem>>)
    "tpu.region"() ({
      %run_scoped3A = tpu.sem_alloc : memref<!tpu.dma_semaphore, #tpu.memory_space<semaphore_mem>>
      %dma_start3A_7 = arith.constant 0 : i32
      %dma_start3A_8 = tpu.memref_slice %arg4[%mul3A_2, %dma_start3A_7] : memref<512x512xf32, #tpu.memory_space<hbm>> -> memref<16x512xf32, #tpu.memory_space<hbm>>
      %dma_start3A_9 = arith.constant 0 : i32
      %dma_start3A_10 = tpu.memref_slice %arg4[%mul3A_2, %dma_start3A_9] : memref<512x512xf32, #tpu.memory_space<hbm>> -> memref<16x512xf32, #tpu.memory_space<hbm>>
      tpu.enqueue_dma source(%arg6 : memref<16x512xf32, #tpu.memory_space<vmem>>) target(%dma_start3A_10 : memref<16x512xf32, #tpu.memory_space<hbm>>) target_semaphore(%run_scoped3A : memref<!tpu.dma_semaphore, #tpu.memory_space<semaphore_mem>>)
      %dma_wait3A_11 = arith.constant 0 : i32
      %dma_wait3A_12 = tpu.memref_slice %arg4[%mul3A_2, %dma_wait3A_11] : memref<512x512xf32, #tpu.memory_space<hbm>> -> memref<16x512xf32, #tpu.memory_space<hbm>>
      %dma_wait3A_13 = arith.constant 0 : i32
      %dma_wait3A_14 = tpu.memref_slice %arg4[%mul3A_2, %dma_wait3A_13] : memref<512x512xf32, #tpu.memory_space<hbm>> -> memref<16x512xf32, #tpu.memory_space<hbm>>
      tpu.wait_dma2 semaphore(%run_scoped3A : memref<!tpu.dma_semaphore, #tpu.memory_space<semaphore_mem>>) src(%arg6 : memref<16x512xf32, #tpu.memory_space<vmem>>) dst(%dma_wait3A_14 : memref<16x512xf32, #tpu.memory_space<hbm>>)
      tpu.yield
    }) : () -> ()
    return
  }
}

module attributes {stable_mosaic.version = 14 : i64} {
  func.func @_tc_body(%arg0: memref<64x16x512xf32, #tpu.memory_space<vmem>>, %arg1: memref<64x4x512xf32, #tpu.memory_space<vmem>>, %arg2: memref<64x2x512xf32, #tpu.memory_space<vmem>>, %arg3: memref<64x1x512xf32, #tpu.memory_space<vmem>>, %arg4: memref<4x256x256xbf16, #tpu.memory_space<vmem>>, %arg5: memref<256x32xf32, #tpu.memory_space<vmem>>, %arg6: memref<256x1xf32, #tpu.memory_space<vmem>>, %arg7: memref<64x16x512xf32, #tpu.memory_space<vmem>>) attributes {dimension_semantics = [], scalar_prefetch = 0 : i64, scratch_operands = 0 : i64, tpu.core_type = #tpu.core_type<tc>} {
    %scan3A = arith.constant 0 : i32
    %scan3A_0 = arith.constant 8 : i32
    %scan3A_1 = arith.addi %scan3A, %scan3A_0 : i32
    %scan3A_2 = arith.constant 1 : i32
    scf.for %scan3A_4 = %scan3A to %scan3A_1 step %scan3A_2  : i32 {
      %mul3A = arith.constant 8 : i32
      %mul3A_5 = arith.muli %scan3A_4, %mul3A : i32
      %add3A = arith.constant 0 : i32
      %add3A_6 = arith.addi %mul3A_5, %add3A : i32
      %get3A = arith.index_cast %add3A_6 : i32 to index
      %get3A_7 = arith.constant 0 : index
      %get3A_8 = arith.constant 0 : index
      %get3A_9 = vector.load %arg0[%get3A, %get3A_7, %get3A_8] : memref<64x16x512xf32, #tpu.memory_space<vmem>>, vector<1x16x512xf32>
      %get3A_10 = vector.shape_cast %get3A_9 : vector<1x16x512xf32> to vector<16x512xf32>
      %get3A_11 = arith.index_cast %add3A_6 : i32 to index
      %get3A_12 = arith.constant 0 : index
      %get3A_13 = arith.constant 0 : index
      %get3A_14 = vector.load %arg1[%get3A_11, %get3A_12, %get3A_13] : memref<64x4x512xf32, #tpu.memory_space<vmem>>, vector<1x4x512xf32>
      %get3A_15 = vector.shape_cast %get3A_14 : vector<1x4x512xf32> to vector<4x512xf32>
      %get3A_16 = arith.index_cast %add3A_6 : i32 to index
      %get3A_17 = arith.constant 0 : index
      %get3A_18 = arith.constant 0 : index
      %get3A_19 = vector.load %arg2[%get3A_16, %get3A_17, %get3A_18] : memref<64x2x512xf32, #tpu.memory_space<vmem>>, vector<1x2x512xf32>
      %get3A_20 = vector.shape_cast %get3A_19 : vector<1x2x512xf32> to vector<2x512xf32>
      %get3A_21 = arith.index_cast %add3A_6 : i32 to index
      %get3A_22 = arith.constant 0 : index
      %get3A_23 = arith.constant 0 : index
      %get3A_24 = vector.load %arg3[%get3A_21, %get3A_22, %get3A_23] : memref<64x1x512xf32, #tpu.memory_space<vmem>>, vector<1x1x512xf32>
      %get3A_25 = vector.shape_cast %get3A_24 : vector<1x1x512xf32> to vector<1x512xf32>
      %get3A_26 = arith.constant 0 : index
      %get3A_27 = arith.constant 0 : index
      %get3A_28 = vector.load %arg6[%get3A_26, %get3A_27] : memref<256x1xf32, #tpu.memory_space<vmem>>, vector<256x1xf32>
      %mul3A_29 = vector.broadcast %get3A_28 : vector<256x1xf32> to vector<256x512xf32>
      %mul3A_30 = vector.broadcast %get3A_25 : vector<1x512xf32> to vector<256x512xf32>
      %mul3A_31 = arith.mulf %mul3A_29, %mul3A_30 : vector<256x512xf32>
      %slice3A = vector.extract_strided_slice %get3A_10 {offsets = [0, 0], sizes = [1, 512], strides = [1, 1]} : vector<16x512xf32> to vector<1x512xf32>
      %mul3A_32 = vector.broadcast %slice3A : vector<1x512xf32> to vector<16x512xf32>
      %mul3A_33 = arith.mulf %get3A_10, %mul3A_32 : vector<16x512xf32>
      %slice3A_34 = vector.extract_strided_slice %get3A_10 {offsets = [1, 0], sizes = [1, 512], strides = [1, 1]} : vector<16x512xf32> to vector<1x512xf32>
      %mul3A_35 = vector.broadcast %slice3A_34 : vector<1x512xf32> to vector<16x512xf32>
      %mul3A_36 = arith.mulf %get3A_10, %mul3A_35 : vector<16x512xf32>
      %slice3A_37 = vector.extract_strided_slice %get3A_10 {offsets = [2, 0], sizes = [1, 512], strides = [1, 1]} : vector<16x512xf32> to vector<1x512xf32>
      %mul3A_38 = vector.broadcast %slice3A_37 : vector<1x512xf32> to vector<16x512xf32>
      %mul3A_39 = arith.mulf %get3A_10, %mul3A_38 : vector<16x512xf32>
      %slice3A_40 = vector.extract_strided_slice %get3A_10 {offsets = [3, 0], sizes = [1, 512], strides = [1, 1]} : vector<16x512xf32> to vector<1x512xf32>
      %mul3A_41 = vector.broadcast %slice3A_40 : vector<1x512xf32> to vector<16x512xf32>
      %mul3A_42 = arith.mulf %get3A_10, %mul3A_41 : vector<16x512xf32>
      %slice3A_43 = vector.extract_strided_slice %get3A_10 {offsets = [4, 0], sizes = [1, 512], strides = [1, 1]} : vector<16x512xf32> to vector<1x512xf32>
      %mul3A_44 = vector.broadcast %slice3A_43 : vector<1x512xf32> to vector<16x512xf32>
      %mul3A_45 = arith.mulf %get3A_10, %mul3A_44 : vector<16x512xf32>
      %slice3A_46 = vector.extract_strided_slice %get3A_10 {offsets = [5, 0], sizes = [1, 512], strides = [1, 1]} : vector<16x512xf32> to vector<1x512xf32>
      %mul3A_47 = vector.broadcast %slice3A_46 : vector<1x512xf32> to vector<16x512xf32>
      %mul3A_48 = arith.mulf %get3A_10, %mul3A_47 : vector<16x512xf32>
      %slice3A_49 = vector.extract_strided_slice %get3A_10 {offsets = [6, 0], sizes = [1, 512], strides = [1, 1]} : vector<16x512xf32> to vector<1x512xf32>
      %mul3A_50 = vector.broadcast %slice3A_49 : vector<1x512xf32> to vector<16x512xf32>
      %mul3A_51 = arith.mulf %get3A_10, %mul3A_50 : vector<16x512xf32>
      %slice3A_52 = vector.extract_strided_slice %get3A_10 {offsets = [7, 0], sizes = [1, 512], strides = [1, 1]} : vector<16x512xf32> to vector<1x512xf32>
      %mul3A_53 = vector.broadcast %slice3A_52 : vector<1x512xf32> to vector<16x512xf32>
      %mul3A_54 = arith.mulf %get3A_10, %mul3A_53 : vector<16x512xf32>
      %slice3A_55 = vector.extract_strided_slice %get3A_10 {offsets = [8, 0], sizes = [1, 512], strides = [1, 1]} : vector<16x512xf32> to vector<1x512xf32>
      %mul3A_56 = vector.broadcast %slice3A_55 : vector<1x512xf32> to vector<16x512xf32>
      %mul3A_57 = arith.mulf %get3A_10, %mul3A_56 : vector<16x512xf32>
      %slice3A_58 = vector.extract_strided_slice %get3A_10 {offsets = [9, 0], sizes = [1, 512], strides = [1, 1]} : vector<16x512xf32> to vector<1x512xf32>
      %mul3A_59 = vector.broadcast %slice3A_58 : vector<1x512xf32> to vector<16x512xf32>
      %mul3A_60 = arith.mulf %get3A_10, %mul3A_59 : vector<16x512xf32>
      %slice3A_61 = vector.extract_strided_slice %get3A_10 {offsets = [10, 0], sizes = [1, 512], strides = [1, 1]} : vector<16x512xf32> to vector<1x512xf32>
      %mul3A_62 = vector.broadcast %slice3A_61 : vector<1x512xf32> to vector<16x512xf32>
      %mul3A_63 = arith.mulf %get3A_10, %mul3A_62 : vector<16x512xf32>
      %slice3A_64 = vector.extract_strided_slice %get3A_10 {offsets = [11, 0], sizes = [1, 512], strides = [1, 1]} : vector<16x512xf32> to vector<1x512xf32>
      %mul3A_65 = vector.broadcast %slice3A_64 : vector<1x512xf32> to vector<16x512xf32>
      %mul3A_66 = arith.mulf %get3A_10, %mul3A_65 : vector<16x512xf32>
      %slice3A_67 = vector.extract_strided_slice %get3A_10 {offsets = [12, 0], sizes = [1, 512], strides = [1, 1]} : vector<16x512xf32> to vector<1x512xf32>
      %mul3A_68 = vector.broadcast %slice3A_67 : vector<1x512xf32> to vector<16x512xf32>
      %mul3A_69 = arith.mulf %get3A_10, %mul3A_68 : vector<16x512xf32>
      %slice3A_70 = vector.extract_strided_slice %get3A_10 {offsets = [13, 0], sizes = [1, 512], strides = [1, 1]} : vector<16x512xf32> to vector<1x512xf32>
      %mul3A_71 = vector.broadcast %slice3A_70 : vector<1x512xf32> to vector<16x512xf32>
      %mul3A_72 = arith.mulf %get3A_10, %mul3A_71 : vector<16x512xf32>
      %slice3A_73 = vector.extract_strided_slice %get3A_10 {offsets = [14, 0], sizes = [1, 512], strides = [1, 1]} : vector<16x512xf32> to vector<1x512xf32>
      %mul3A_74 = vector.broadcast %slice3A_73 : vector<1x512xf32> to vector<16x512xf32>
      %mul3A_75 = arith.mulf %get3A_10, %mul3A_74 : vector<16x512xf32>
      %slice3A_76 = vector.extract_strided_slice %get3A_10 {offsets = [15, 0], sizes = [1, 512], strides = [1, 1]} : vector<16x512xf32> to vector<1x512xf32>
      %mul3A_77 = vector.broadcast %slice3A_76 : vector<1x512xf32> to vector<16x512xf32>
      %mul3A_78 = arith.mulf %get3A_10, %mul3A_77 : vector<16x512xf32>
      %concatenate3A = tpu.concatenate %mul3A_33, %mul3A_36, %mul3A_39, %mul3A_42, %mul3A_45, %mul3A_48, %mul3A_51, %mul3A_54, %mul3A_57, %mul3A_60, %mul3A_63, %mul3A_66, %mul3A_69, %mul3A_72, %mul3A_75, %mul3A_78 in 0 : vector<16x512xf32>, vector<16x512xf32>, vector<16x512xf32>, vector<16x512xf32>, vector<16x512xf32>, vector<16x512xf32>, vector<16x512xf32>, vector<16x512xf32>, vector<16x512xf32>, vector<16x512xf32>, vector<16x512xf32>, vector<16x512xf32>, vector<16x512xf32>, vector<16x512xf32>, vector<16x512xf32>, vector<16x512xf32> -> vector<256x512xf32>
      %convert_element_type3A = arith.truncf %concatenate3A : vector<256x512xf32> to vector<256x512xbf16>
      %get3A_79 = arith.constant 0 : index
      %get3A_80 = arith.constant 0 : index
      %get3A_81 = arith.constant 0 : index
      %get3A_82 = vector.load %arg4[%get3A_79, %get3A_80, %get3A_81] : memref<4x256x256xbf16, #tpu.memory_space<vmem>>, vector<1x256x256xbf16>
      %get3A_83 = vector.shape_cast %get3A_82 : vector<1x256x256xbf16> to vector<256x256xbf16>
      %dot_general3A = arith.constant dense<0.000000e+00> : vector<256x512xf32>
      %dot_general3A_84 = tpu.matmul %get3A_83, %convert_element_type3A, %dot_general3A {dimension_numbers = #tpu.dot_dimension_numbers<[1], [0], [0], [1], [0, 0, 1, 1], [], []>, transpose_lhs_hint = false} : vector<256x256xbf16>, vector<256x512xbf16>, vector<256x512xf32> -> vector<256x512xf32>
      %slice3A_85 = vector.extract_strided_slice %get3A_15 {offsets = [0, 0], sizes = [1, 512], strides = [1, 1]} : vector<4x512xf32> to vector<1x512xf32>
      %mul3A_86 = vector.broadcast %slice3A_85 : vector<1x512xf32> to vector<256x512xf32>
      %mul3A_87 = arith.mulf %dot_general3A_84, %mul3A_86 : vector<256x512xf32>
      %add3A_88 = arith.addf %mul3A_31, %mul3A_87 : vector<256x512xf32>
      %get3A_89 = arith.constant 1 : index
      %get3A_90 = arith.constant 0 : index
      %get3A_91 = arith.constant 0 : index
      %get3A_92 = vector.load %arg4[%get3A_89, %get3A_90, %get3A_91] : memref<4x256x256xbf16, #tpu.memory_space<vmem>>, vector<1x256x256xbf16>
      %get3A_93 = vector.shape_cast %get3A_92 : vector<1x256x256xbf16> to vector<256x256xbf16>
      %dot_general3A_94 = arith.constant dense<0.000000e+00> : vector<256x512xf32>
      %dot_general3A_95 = tpu.matmul %get3A_93, %convert_element_type3A, %dot_general3A_94 {dimension_numbers = #tpu.dot_dimension_numbers<[1], [0], [0], [1], [0, 0, 1, 1], [], []>, transpose_lhs_hint = false} : vector<256x256xbf16>, vector<256x512xbf16>, vector<256x512xf32> -> vector<256x512xf32>
      %slice3A_96 = vector.extract_strided_slice %get3A_15 {offsets = [1, 0], sizes = [1, 512], strides = [1, 1]} : vector<4x512xf32> to vector<1x512xf32>
      %mul3A_97 = vector.broadcast %slice3A_96 : vector<1x512xf32> to vector<256x512xf32>
      %mul3A_98 = arith.mulf %dot_general3A_95, %mul3A_97 : vector<256x512xf32>
      %add3A_99 = arith.addf %add3A_88, %mul3A_98 : vector<256x512xf32>
      %get3A_100 = arith.constant 2 : index
      %get3A_101 = arith.constant 0 : index
      %get3A_102 = arith.constant 0 : index
      %get3A_103 = vector.load %arg4[%get3A_100, %get3A_101, %get3A_102] : memref<4x256x256xbf16, #tpu.memory_space<vmem>>, vector<1x256x256xbf16>
      %get3A_104 = vector.shape_cast %get3A_103 : vector<1x256x256xbf16> to vector<256x256xbf16>
      %dot_general3A_105 = arith.constant dense<0.000000e+00> : vector<256x512xf32>
      %dot_general3A_106 = tpu.matmul %get3A_104, %convert_element_type3A, %dot_general3A_105 {dimension_numbers = #tpu.dot_dimension_numbers<[1], [0], [0], [1], [0, 0, 1, 1], [], []>, transpose_lhs_hint = false} : vector<256x256xbf16>, vector<256x512xbf16>, vector<256x512xf32> -> vector<256x512xf32>
      %slice3A_107 = vector.extract_strided_slice %get3A_15 {offsets = [2, 0], sizes = [1, 512], strides = [1, 1]} : vector<4x512xf32> to vector<1x512xf32>
      %mul3A_108 = vector.broadcast %slice3A_107 : vector<1x512xf32> to vector<256x512xf32>
      %mul3A_109 = arith.mulf %dot_general3A_106, %mul3A_108 : vector<256x512xf32>
      %add3A_110 = arith.addf %add3A_99, %mul3A_109 : vector<256x512xf32>
      %get3A_111 = arith.constant 3 : index
      %get3A_112 = arith.constant 0 : index
      %get3A_113 = arith.constant 0 : index
      %get3A_114 = vector.load %arg4[%get3A_111, %get3A_112, %get3A_113] : memref<4x256x256xbf16, #tpu.memory_space<vmem>>, vector<1x256x256xbf16>
      %get3A_115 = vector.shape_cast %get3A_114 : vector<1x256x256xbf16> to vector<256x256xbf16>
      %dot_general3A_116 = arith.constant dense<0.000000e+00> : vector<256x512xf32>
      %dot_general3A_117 = tpu.matmul %get3A_115, %convert_element_type3A, %dot_general3A_116 {dimension_numbers = #tpu.dot_dimension_numbers<[1], [0], [0], [1], [0, 0, 1, 1], [], []>, transpose_lhs_hint = false} : vector<256x256xbf16>, vector<256x512xbf16>, vector<256x512xf32> -> vector<256x512xf32>
      %slice3A_118 = vector.extract_strided_slice %get3A_15 {offsets = [3, 0], sizes = [1, 512], strides = [1, 1]} : vector<4x512xf32> to vector<1x512xf32>
      %mul3A_119 = vector.broadcast %slice3A_118 : vector<1x512xf32> to vector<256x512xf32>
      %mul3A_120 = arith.mulf %dot_general3A_117, %mul3A_119 : vector<256x512xf32>
      %add3A_121 = arith.addf %add3A_110, %mul3A_120 : vector<256x512xf32>
      %slice3A_122 = vector.extract_strided_slice %get3A_20 {offsets = [0, 0], sizes = [1, 512], strides = [1, 1]} : vector<2x512xf32> to vector<1x512xf32>
      %mul3A_123 = vector.broadcast %slice3A_122 : vector<1x512xf32> to vector<16x512xf32>
      %mul3A_124 = arith.mulf %get3A_10, %mul3A_123 : vector<16x512xf32>
      %slice3A_125 = vector.extract_strided_slice %get3A_20 {offsets = [1, 0], sizes = [1, 512], strides = [1, 1]} : vector<2x512xf32> to vector<1x512xf32>
      %mul3A_126 = vector.broadcast %slice3A_125 : vector<1x512xf32> to vector<16x512xf32>
      %mul3A_127 = arith.mulf %get3A_10, %mul3A_126 : vector<16x512xf32>
      %concatenate3A_128 = tpu.concatenate %mul3A_124, %mul3A_127 in 0 : vector<16x512xf32>, vector<16x512xf32> -> vector<32x512xf32>
      %get3A_129 = arith.constant 0 : index
      %get3A_130 = arith.constant 0 : index
      %get3A_131 = vector.load %arg5[%get3A_129, %get3A_130] : memref<256x32xf32, #tpu.memory_space<vmem>>, vector<256x32xf32>
      %dot_general3A_132 = arith.constant dense<0.000000e+00> : vector<256x512xf32>
      %dot_general3A_133 = tpu.matmul %get3A_131, %concatenate3A_128, %dot_general3A_132 {dimension_numbers = #tpu.dot_dimension_numbers<[1], [0], [0], [1], [0, 0, 1, 1], [], []>, transpose_lhs_hint = false} : vector<256x32xf32>, vector<32x512xf32>, vector<256x512xf32> -> vector<256x512xf32>
      %add3A_134 = arith.addf %add3A_121, %dot_general3A_133 : vector<256x512xf32>
      %slice3A_135 = vector.extract_strided_slice %add3A_134 {offsets = [0, 0], sizes = [16, 512], strides = [1, 1]} : vector<256x512xf32> to vector<16x512xf32>
      %slice3A_136 = vector.extract_strided_slice %get3A_10 {offsets = [0, 0], sizes = [1, 512], strides = [1, 1]} : vector<16x512xf32> to vector<1x512xf32>
      %mul3A_137 = vector.broadcast %slice3A_136 : vector<1x512xf32> to vector<16x512xf32>
      %mul3A_138 = arith.mulf %slice3A_135, %mul3A_137 : vector<16x512xf32>
      %slice3A_139 = vector.extract_strided_slice %add3A_134 {offsets = [16, 0], sizes = [16, 512], strides = [1, 1]} : vector<256x512xf32> to vector<16x512xf32>
      %slice3A_140 = vector.extract_strided_slice %get3A_10 {offsets = [1, 0], sizes = [1, 512], strides = [1, 1]} : vector<16x512xf32> to vector<1x512xf32>
      %mul3A_141 = vector.broadcast %slice3A_140 : vector<1x512xf32> to vector<16x512xf32>
      %mul3A_142 = arith.mulf %slice3A_139, %mul3A_141 : vector<16x512xf32>
      %add3A_143 = arith.addf %mul3A_138, %mul3A_142 : vector<16x512xf32>
      %slice3A_144 = vector.extract_strided_slice %add3A_134 {offsets = [32, 0], sizes = [16, 512], strides = [1, 1]} : vector<256x512xf32> to vector<16x512xf32>
      %slice3A_145 = vector.extract_strided_slice %get3A_10 {offsets = [2, 0], sizes = [1, 512], strides = [1, 1]} : vector<16x512xf32> to vector<1x512xf32>
      %mul3A_146 = vector.broadcast %slice3A_145 : vector<1x512xf32> to vector<16x512xf32>
      %mul3A_147 = arith.mulf %slice3A_144, %mul3A_146 : vector<16x512xf32>
      %add3A_148 = arith.addf %add3A_143, %mul3A_147 : vector<16x512xf32>
      %slice3A_149 = vector.extract_strided_slice %add3A_134 {offsets = [48, 0], sizes = [16, 512], strides = [1, 1]} : vector<256x512xf32> to vector<16x512xf32>
      %slice3A_150 = vector.extract_strided_slice %get3A_10 {offsets = [3, 0], sizes = [1, 512], strides = [1, 1]} : vector<16x512xf32> to vector<1x512xf32>
      %mul3A_151 = vector.broadcast %slice3A_150 : vector<1x512xf32> to vector<16x512xf32>
      %mul3A_152 = arith.mulf %slice3A_149, %mul3A_151 : vector<16x512xf32>
      %add3A_153 = arith.addf %add3A_148, %mul3A_152 : vector<16x512xf32>
      %slice3A_154 = vector.extract_strided_slice %add3A_134 {offsets = [64, 0], sizes = [16, 512], strides = [1, 1]} : vector<256x512xf32> to vector<16x512xf32>
      %slice3A_155 = vector.extract_strided_slice %get3A_10 {offsets = [4, 0], sizes = [1, 512], strides = [1, 1]} : vector<16x512xf32> to vector<1x512xf32>
      %mul3A_156 = vector.broadcast %slice3A_155 : vector<1x512xf32> to vector<16x512xf32>
      %mul3A_157 = arith.mulf %slice3A_154, %mul3A_156 : vector<16x512xf32>
      %add3A_158 = arith.addf %add3A_153, %mul3A_157 : vector<16x512xf32>
      %slice3A_159 = vector.extract_strided_slice %add3A_134 {offsets = [80, 0], sizes = [16, 512], strides = [1, 1]} : vector<256x512xf32> to vector<16x512xf32>
      %slice3A_160 = vector.extract_strided_slice %get3A_10 {offsets = [5, 0], sizes = [1, 512], strides = [1, 1]} : vector<16x512xf32> to vector<1x512xf32>
      %mul3A_161 = vector.broadcast %slice3A_160 : vector<1x512xf32> to vector<16x512xf32>
      %mul3A_162 = arith.mulf %slice3A_159, %mul3A_161 : vector<16x512xf32>
      %add3A_163 = arith.addf %add3A_158, %mul3A_162 : vector<16x512xf32>
      %slice3A_164 = vector.extract_strided_slice %add3A_134 {offsets = [96, 0], sizes = [16, 512], strides = [1, 1]} : vector<256x512xf32> to vector<16x512xf32>
      %slice3A_165 = vector.extract_strided_slice %get3A_10 {offsets = [6, 0], sizes = [1, 512], strides = [1, 1]} : vector<16x512xf32> to vector<1x512xf32>
      %mul3A_166 = vector.broadcast %slice3A_165 : vector<1x512xf32> to vector<16x512xf32>
      %mul3A_167 = arith.mulf %slice3A_164, %mul3A_166 : vector<16x512xf32>
      %add3A_168 = arith.addf %add3A_163, %mul3A_167 : vector<16x512xf32>
      %slice3A_169 = vector.extract_strided_slice %add3A_134 {offsets = [112, 0], sizes = [16, 512], strides = [1, 1]} : vector<256x512xf32> to vector<16x512xf32>
      %slice3A_170 = vector.extract_strided_slice %get3A_10 {offsets = [7, 0], sizes = [1, 512], strides = [1, 1]} : vector<16x512xf32> to vector<1x512xf32>
      %mul3A_171 = vector.broadcast %slice3A_170 : vector<1x512xf32> to vector<16x512xf32>
      %mul3A_172 = arith.mulf %slice3A_169, %mul3A_171 : vector<16x512xf32>
      %add3A_173 = arith.addf %add3A_168, %mul3A_172 : vector<16x512xf32>
      %slice3A_174 = vector.extract_strided_slice %add3A_134 {offsets = [128, 0], sizes = [16, 512], strides = [1, 1]} : vector<256x512xf32> to vector<16x512xf32>
      %slice3A_175 = vector.extract_strided_slice %get3A_10 {offsets = [8, 0], sizes = [1, 512], strides = [1, 1]} : vector<16x512xf32> to vector<1x512xf32>
      %mul3A_176 = vector.broadcast %slice3A_175 : vector<1x512xf32> to vector<16x512xf32>
      %mul3A_177 = arith.mulf %slice3A_174, %mul3A_176 : vector<16x512xf32>
      %add3A_178 = arith.addf %add3A_173, %mul3A_177 : vector<16x512xf32>
      %slice3A_179 = vector.extract_strided_slice %add3A_134 {offsets = [144, 0], sizes = [16, 512], strides = [1, 1]} : vector<256x512xf32> to vector<16x512xf32>
      %slice3A_180 = vector.extract_strided_slice %get3A_10 {offsets = [9, 0], sizes = [1, 512], strides = [1, 1]} : vector<16x512xf32> to vector<1x512xf32>
      %mul3A_181 = vector.broadcast %slice3A_180 : vector<1x512xf32> to vector<16x512xf32>
      %mul3A_182 = arith.mulf %slice3A_179, %mul3A_181 : vector<16x512xf32>
      %add3A_183 = arith.addf %add3A_178, %mul3A_182 : vector<16x512xf32>
      %slice3A_184 = vector.extract_strided_slice %add3A_134 {offsets = [160, 0], sizes = [16, 512], strides = [1, 1]} : vector<256x512xf32> to vector<16x512xf32>
      %slice3A_185 = vector.extract_strided_slice %get3A_10 {offsets = [10, 0], sizes = [1, 512], strides = [1, 1]} : vector<16x512xf32> to vector<1x512xf32>
      %mul3A_186 = vector.broadcast %slice3A_185 : vector<1x512xf32> to vector<16x512xf32>
      %mul3A_187 = arith.mulf %slice3A_184, %mul3A_186 : vector<16x512xf32>
      %add3A_188 = arith.addf %add3A_183, %mul3A_187 : vector<16x512xf32>
      %slice3A_189 = vector.extract_strided_slice %add3A_134 {offsets = [176, 0], sizes = [16, 512], strides = [1, 1]} : vector<256x512xf32> to vector<16x512xf32>
      %slice3A_190 = vector.extract_strided_slice %get3A_10 {offsets = [11, 0], sizes = [1, 512], strides = [1, 1]} : vector<16x512xf32> to vector<1x512xf32>
      %mul3A_191 = vector.broadcast %slice3A_190 : vector<1x512xf32> to vector<16x512xf32>
      %mul3A_192 = arith.mulf %slice3A_189, %mul3A_191 : vector<16x512xf32>
      %add3A_193 = arith.addf %add3A_188, %mul3A_192 : vector<16x512xf32>
      %slice3A_194 = vector.extract_strided_slice %add3A_134 {offsets = [192, 0], sizes = [16, 512], strides = [1, 1]} : vector<256x512xf32> to vector<16x512xf32>
      %slice3A_195 = vector.extract_strided_slice %get3A_10 {offsets = [12, 0], sizes = [1, 512], strides = [1, 1]} : vector<16x512xf32> to vector<1x512xf32>
      %mul3A_196 = vector.broadcast %slice3A_195 : vector<1x512xf32> to vector<16x512xf32>
      %mul3A_197 = arith.mulf %slice3A_194, %mul3A_196 : vector<16x512xf32>
      %add3A_198 = arith.addf %add3A_193, %mul3A_197 : vector<16x512xf32>
      %slice3A_199 = vector.extract_strided_slice %add3A_134 {offsets = [208, 0], sizes = [16, 512], strides = [1, 1]} : vector<256x512xf32> to vector<16x512xf32>
      %slice3A_200 = vector.extract_strided_slice %get3A_10 {offsets = [13, 0], sizes = [1, 512], strides = [1, 1]} : vector<16x512xf32> to vector<1x512xf32>
      %mul3A_201 = vector.broadcast %slice3A_200 : vector<1x512xf32> to vector<16x512xf32>
      %mul3A_202 = arith.mulf %slice3A_199, %mul3A_201 : vector<16x512xf32>
      %add3A_203 = arith.addf %add3A_198, %mul3A_202 : vector<16x512xf32>
      %slice3A_204 = vector.extract_strided_slice %add3A_134 {offsets = [224, 0], sizes = [16, 512], strides = [1, 1]} : vector<256x512xf32> to vector<16x512xf32>
      %slice3A_205 = vector.extract_strided_slice %get3A_10 {offsets = [14, 0], sizes = [1, 512], strides = [1, 1]} : vector<16x512xf32> to vector<1x512xf32>
      %mul3A_206 = vector.broadcast %slice3A_205 : vector<1x512xf32> to vector<16x512xf32>
      %mul3A_207 = arith.mulf %slice3A_204, %mul3A_206 : vector<16x512xf32>
      %add3A_208 = arith.addf %add3A_203, %mul3A_207 : vector<16x512xf32>
      %slice3A_209 = vector.extract_strided_slice %add3A_134 {offsets = [240, 0], sizes = [16, 512], strides = [1, 1]} : vector<256x512xf32> to vector<16x512xf32>
      %slice3A_210 = vector.extract_strided_slice %get3A_10 {offsets = [15, 0], sizes = [1, 512], strides = [1, 1]} : vector<16x512xf32> to vector<1x512xf32>
      %mul3A_211 = vector.broadcast %slice3A_210 : vector<1x512xf32> to vector<16x512xf32>
      %mul3A_212 = arith.mulf %slice3A_209, %mul3A_211 : vector<16x512xf32>
      %add3A_213 = arith.addf %add3A_208, %mul3A_212 : vector<16x512xf32>
      %swap3A = arith.index_cast %add3A_6 : i32 to index
      %swap3A_214 = arith.constant 0 : index
      %swap3A_215 = arith.constant 0 : index
      %swap3A_216 = vector.load %arg7[%swap3A, %swap3A_214, %swap3A_215] : memref<64x16x512xf32, #tpu.memory_space<vmem>>, vector<1x16x512xf32>
      %swap3A_217 = vector.shape_cast %swap3A_216 : vector<1x16x512xf32> to vector<16x512xf32>
      %swap3A_218 = vector.shape_cast %add3A_213 : vector<16x512xf32> to vector<1x16x512xf32>
      tpu.vector_store %arg7[%swap3A, %swap3A_214, %swap3A_215], %swap3A_218 {strides = array<i32>} : memref<64x16x512xf32, #tpu.memory_space<vmem>>, vector<1x16x512xf32>,
      %mul3A_219 = arith.constant 8 : i32
      %mul3A_220 = arith.muli %scan3A_4, %mul3A_219 : i32
      %add3A_221 = arith.constant 1 : i32
      %add3A_222 = arith.addi %mul3A_220, %add3A_221 : i32
      %get3A_223 = arith.index_cast %add3A_222 : i32 to index
      %get3A_224 = arith.constant 0 : index
      %get3A_225 = arith.constant 0 : index
      %get3A_226 = vector.load %arg0[%get3A_223, %get3A_224, %get3A_225] : memref<64x16x512xf32, #tpu.memory_space<vmem>>, vector<1x16x512xf32>
      %get3A_227 = vector.shape_cast %get3A_226 : vector<1x16x512xf32> to vector<16x512xf32>
      %get3A_228 = arith.index_cast %add3A_222 : i32 to index
      %get3A_229 = arith.constant 0 : index
      %get3A_230 = arith.constant 0 : index
      %get3A_231 = vector.load %arg1[%get3A_228, %get3A_229, %get3A_230] : memref<64x4x512xf32, #tpu.memory_space<vmem>>, vector<1x4x512xf32>
      %get3A_232 = vector.shape_cast %get3A_231 : vector<1x4x512xf32> to vector<4x512xf32>
      %get3A_233 = arith.index_cast %add3A_222 : i32 to index
      %get3A_234 = arith.constant 0 : index
      %get3A_235 = arith.constant 0 : index
      %get3A_236 = vector.load %arg2[%get3A_233, %get3A_234, %get3A_235] : memref<64x2x512xf32, #tpu.memory_space<vmem>>, vector<1x2x512xf32>
      %get3A_237 = vector.shape_cast %get3A_236 : vector<1x2x512xf32> to vector<2x512xf32>
      %get3A_238 = arith.index_cast %add3A_222 : i32 to index
      %get3A_239 = arith.constant 0 : index
      %get3A_240 = arith.constant 0 : index
      %get3A_241 = vector.load %arg3[%get3A_238, %get3A_239, %get3A_240] : memref<64x1x512xf32, #tpu.memory_space<vmem>>, vector<1x1x512xf32>
      %get3A_242 = vector.shape_cast %get3A_241 : vector<1x1x512xf32> to vector<1x512xf32>
      %get3A_243 = arith.constant 0 : index
      %get3A_244 = arith.constant 0 : index
      %get3A_245 = vector.load %arg6[%get3A_243, %get3A_244] : memref<256x1xf32, #tpu.memory_space<vmem>>, vector<256x1xf32>
      %mul3A_246 = vector.broadcast %get3A_245 : vector<256x1xf32> to vector<256x512xf32>
      %mul3A_247 = vector.broadcast %get3A_242 : vector<1x512xf32> to vector<256x512xf32>
      %mul3A_248 = arith.mulf %mul3A_246, %mul3A_247 : vector<256x512xf32>
      %slice3A_249 = vector.extract_strided_slice %get3A_227 {offsets = [0, 0], sizes = [1, 512], strides = [1, 1]} : vector<16x512xf32> to vector<1x512xf32>
      %mul3A_250 = vector.broadcast %slice3A_249 : vector<1x512xf32> to vector<16x512xf32>
      %mul3A_251 = arith.mulf %get3A_227, %mul3A_250 : vector<16x512xf32>
      %slice3A_252 = vector.extract_strided_slice %get3A_227 {offsets = [1, 0], sizes = [1, 512], strides = [1, 1]} : vector<16x512xf32> to vector<1x512xf32>
      %mul3A_253 = vector.broadcast %slice3A_252 : vector<1x512xf32> to vector<16x512xf32>
      %mul3A_254 = arith.mulf %get3A_227, %mul3A_253 : vector<16x512xf32>
      %slice3A_255 = vector.extract_strided_slice %get3A_227 {offsets = [2, 0], sizes = [1, 512], strides = [1, 1]} : vector<16x512xf32> to vector<1x512xf32>
      %mul3A_256 = vector.broadcast %slice3A_255 : vector<1x512xf32> to vector<16x512xf32>
      %mul3A_257 = arith.mulf %get3A_227, %mul3A_256 : vector<16x512xf32>
      %slice3A_258 = vector.extract_strided_slice %get3A_227 {offsets = [3, 0], sizes = [1, 512], strides = [1, 1]} : vector<16x512xf32> to vector<1x512xf32>
      %mul3A_259 = vector.broadcast %slice3A_258 : vector<1x512xf32> to vector<16x512xf32>
      %mul3A_260 = arith.mulf %get3A_227, %mul3A_259 : vector<16x512xf32>
      %slice3A_261 = vector.extract_strided_slice %get3A_227 {offsets = [4, 0], sizes = [1, 512], strides = [1, 1]} : vector<16x512xf32> to vector<1x512xf32>
      %mul3A_262 = vector.broadcast %slice3A_261 : vector<1x512xf32> to vector<16x512xf32>
      %mul3A_263 = arith.mulf %get3A_227, %mul3A_262 : vector<16x512xf32>
      %slice3A_264 = vector.extract_strided_slice %get3A_227 {offsets = [5, 0], sizes = [1, 512], strides = [1, 1]} : vector<16x512xf32> to vector<1x512xf32>
      %mul3A_265 = vector.broadcast %slice3A_264 : vector<1x512xf32> to vector<16x512xf32>
      %mul3A_266 = arith.mulf %get3A_227, %mul3A_265 : vector<16x512xf32>
      %slice3A_267 = vector.extract_strided_slice %get3A_227 {offsets = [6, 0], sizes = [1, 512], strides = [1, 1]} : vector<16x512xf32> to vector<1x512xf32>
      %mul3A_268 = vector.broadcast %slice3A_267 : vector<1x512xf32> to vector<16x512xf32>
      %mul3A_269 = arith.mulf %get3A_227, %mul3A_268 : vector<16x512xf32>
      %slice3A_270 = vector.extract_strided_slice %get3A_227 {offsets = [7, 0], sizes = [1, 512], strides = [1, 1]} : vector<16x512xf32> to vector<1x512xf32>
      %mul3A_271 = vector.broadcast %slice3A_270 : vector<1x512xf32> to vector<16x512xf32>
      %mul3A_272 = arith.mulf %get3A_227, %mul3A_271 : vector<16x512xf32>
      %slice3A_273 = vector.extract_strided_slice %get3A_227 {offsets = [8, 0], sizes = [1, 512], strides = [1, 1]} : vector<16x512xf32> to vector<1x512xf32>
      %mul3A_274 = vector.broadcast %slice3A_273 : vector<1x512xf32> to vector<16x512xf32>
      %mul3A_275 = arith.mulf %get3A_227, %mul3A_274 : vector<16x512xf32>
      %slice3A_276 = vector.extract_strided_slice %get3A_227 {offsets = [9, 0], sizes = [1, 512], strides = [1, 1]} : vector<16x512xf32> to vector<1x512xf32>
      %mul3A_277 = vector.broadcast %slice3A_276 : vector<1x512xf32> to vector<16x512xf32>
      %mul3A_278 = arith.mulf %get3A_227, %mul3A_277 : vector<16x512xf32>
      %slice3A_279 = vector.extract_strided_slice %get3A_227 {offsets = [10, 0], sizes = [1, 512], strides = [1, 1]} : vector<16x512xf32> to vector<1x512xf32>
      %mul3A_280 = vector.broadcast %slice3A_279 : vector<1x512xf32> to vector<16x512xf32>
      %mul3A_281 = arith.mulf %get3A_227, %mul3A_280 : vector<16x512xf32>
      %slice3A_282 = vector.extract_strided_slice %get3A_227 {offsets = [11, 0], sizes = [1, 512], strides = [1, 1]} : vector<16x512xf32> to vector<1x512xf32>
      %mul3A_283 = vector.broadcast %slice3A_282 : vector<1x512xf32> to vector<16x512xf32>
      %mul3A_284 = arith.mulf %get3A_227, %mul3A_283 : vector<16x512xf32>
      %slice3A_285 = vector.extract_strided_slice %get3A_227 {offsets = [12, 0], sizes = [1, 512], strides = [1, 1]} : vector<16x512xf32> to vector<1x512xf32>
      %mul3A_286 = vector.broadcast %slice3A_285 : vector<1x512xf32> to vector<16x512xf32>
      %mul3A_287 = arith.mulf %get3A_227, %mul3A_286 : vector<16x512xf32>
      %slice3A_288 = vector.extract_strided_slice %get3A_227 {offsets = [13, 0], sizes = [1, 512], strides = [1, 1]} : vector<16x512xf32> to vector<1x512xf32>
      %mul3A_289 = vector.broadcast %slice3A_288 : vector<1x512xf32> to vector<16x512xf32>
      %mul3A_290 = arith.mulf %get3A_227, %mul3A_289 : vector<16x512xf32>
      %slice3A_291 = vector.extract_strided_slice %get3A_227 {offsets = [14, 0], sizes = [1, 512], strides = [1, 1]} : vector<16x512xf32> to vector<1x512xf32>
      %mul3A_292 = vector.broadcast %slice3A_291 : vector<1x512xf32> to vector<16x512xf32>
      %mul3A_293 = arith.mulf %get3A_227, %mul3A_292 : vector<16x512xf32>
      %slice3A_294 = vector.extract_strided_slice %get3A_227 {offsets = [15, 0], sizes = [1, 512], strides = [1, 1]} : vector<16x512xf32> to vector<1x512xf32>
      %mul3A_295 = vector.broadcast %slice3A_294 : vector<1x512xf32> to vector<16x512xf32>
      %mul3A_296 = arith.mulf %get3A_227, %mul3A_295 : vector<16x512xf32>
      %concatenate3A_297 = tpu.concatenate %mul3A_251, %mul3A_254, %mul3A_257, %mul3A_260, %mul3A_263, %mul3A_266, %mul3A_269, %mul3A_272, %mul3A_275, %mul3A_278, %mul3A_281, %mul3A_284, %mul3A_287, %mul3A_290, %mul3A_293, %mul3A_296 in 0 : vector<16x512xf32>, vector<16x512xf32>, vector<16x512xf32>, vector<16x512xf32>, vector<16x512xf32>, vector<16x512xf32>, vector<16x512xf32>, vector<16x512xf32>, vector<16x512xf32>, vector<16x512xf32>, vector<16x512xf32>, vector<16x512xf32>, vector<16x512xf32>, vector<16x512xf32>, vector<16x512xf32>, vector<16x512xf32> -> vector<256x512xf32>
      %convert_element_type3A_298 = arith.truncf %concatenate3A_297 : vector<256x512xf32> to vector<256x512xbf16>
      %get3A_299 = arith.constant 0 : index
      %get3A_300 = arith.constant 0 : index
      %get3A_301 = arith.constant 0 : index
      %get3A_302 = vector.load %arg4[%get3A_299, %get3A_300, %get3A_301] : memref<4x256x256xbf16, #tpu.memory_space<vmem>>, vector<1x256x256xbf16>
      %get3A_303 = vector.shape_cast %get3A_302 : vector<1x256x256xbf16> to vector<256x256xbf16>
      %dot_general3A_304 = arith.constant dense<0.000000e+00> : vector<256x512xf32>
      %dot_general3A_305 = tpu.matmul %get3A_303, %convert_element_type3A_298, %dot_general3A_304 {dimension_numbers = #tpu.dot_dimension_numbers<[1], [0], [0], [1], [0, 0, 1, 1], [], []>, transpose_lhs_hint = false} : vector<256x256xbf16>, vector<256x512xbf16>, vector<256x512xf32> -> vector<256x512xf32>
      %slice3A_306 = vector.extract_strided_slice %get3A_232 {offsets = [0, 0], sizes = [1, 512], strides = [1, 1]} : vector<4x512xf32> to vector<1x512xf32>
      %mul3A_307 = vector.broadcast %slice3A_306 : vector<1x512xf32> to vector<256x512xf32>
      %mul3A_308 = arith.mulf %dot_general3A_305, %mul3A_307 : vector<256x512xf32>
      %add3A_309 = arith.addf %mul3A_248, %mul3A_308 : vector<256x512xf32>
      %get3A_310 = arith.constant 1 : index
      %get3A_311 = arith.constant 0 : index
      %get3A_312 = arith.constant 0 : index
      %get3A_313 = vector.load %arg4[%get3A_310, %get3A_311, %get3A_312] : memref<4x256x256xbf16, #tpu.memory_space<vmem>>, vector<1x256x256xbf16>
      %get3A_314 = vector.shape_cast %get3A_313 : vector<1x256x256xbf16> to vector<256x256xbf16>
      %dot_general3A_315 = arith.constant dense<0.000000e+00> : vector<256x512xf32>
      %dot_general3A_316 = tpu.matmul %get3A_314, %convert_element_type3A_298, %dot_general3A_315 {dimension_numbers = #tpu.dot_dimension_numbers<[1], [0], [0], [1], [0, 0, 1, 1], [], []>, transpose_lhs_hint = false} : vector<256x256xbf16>, vector<256x512xbf16>, vector<256x512xf32> -> vector<256x512xf32>
      %slice3A_317 = vector.extract_strided_slice %get3A_232 {offsets = [1, 0], sizes = [1, 512], strides = [1, 1]} : vector<4x512xf32> to vector<1x512xf32>
      %mul3A_318 = vector.broadcast %slice3A_317 : vector<1x512xf32> to vector<256x512xf32>
      %mul3A_319 = arith.mulf %dot_general3A_316, %mul3A_318 : vector<256x512xf32>
      %add3A_320 = arith.addf %add3A_309, %mul3A_319 : vector<256x512xf32>
      %get3A_321 = arith.constant 2 : index
      %get3A_322 = arith.constant 0 : index
      %get3A_323 = arith.constant 0 : index
      %get3A_324 = vector.load %arg4[%get3A_321, %get3A_322, %get3A_323] : memref<4x256x256xbf16, #tpu.memory_space<vmem>>, vector<1x256x256xbf16>
      %get3A_325 = vector.shape_cast %get3A_324 : vector<1x256x256xbf16> to vector<256x256xbf16>
      %dot_general3A_326 = arith.constant dense<0.000000e+00> : vector<256x512xf32>
      %dot_general3A_327 = tpu.matmul %get3A_325, %convert_element_type3A_298, %dot_general3A_326 {dimension_numbers = #tpu.dot_dimension_numbers<[1], [0], [0], [1], [0, 0, 1, 1], [], []>, transpose_lhs_hint = false} : vector<256x256xbf16>, vector<256x512xbf16>, vector<256x512xf32> -> vector<256x512xf32>
      %slice3A_328 = vector.extract_strided_slice %get3A_232 {offsets = [2, 0], sizes = [1, 512], strides = [1, 1]} : vector<4x512xf32> to vector<1x512xf32>
      %mul3A_329 = vector.broadcast %slice3A_328 : vector<1x512xf32> to vector<256x512xf32>
      %mul3A_330 = arith.mulf %dot_general3A_327, %mul3A_329 : vector<256x512xf32>
      %add3A_331 = arith.addf %add3A_320, %mul3A_330 : vector<256x512xf32>
      %get3A_332 = arith.constant 3 : index
      %get3A_333 = arith.constant 0 : index
      %get3A_334 = arith.constant 0 : index
      %get3A_335 = vector.load %arg4[%get3A_332, %get3A_333, %get3A_334] : memref<4x256x256xbf16, #tpu.memory_space<vmem>>, vector<1x256x256xbf16>
      %get3A_336 = vector.shape_cast %get3A_335 : vector<1x256x256xbf16> to vector<256x256xbf16>
      %dot_general3A_337 = arith.constant dense<0.000000e+00> : vector<256x512xf32>
      %dot_general3A_338 = tpu.matmul %get3A_336, %convert_element_type3A_298, %dot_general3A_337 {dimension_numbers = #tpu.dot_dimension_numbers<[1], [0], [0], [1], [0, 0, 1, 1], [], []>, transpose_lhs_hint = false} : vector<256x256xbf16>, vector<256x512xbf16>, vector<256x512xf32> -> vector<256x512xf32>
      %slice3A_339 = vector.extract_strided_slice %get3A_232 {offsets = [3, 0], sizes = [1, 512], strides = [1, 1]} : vector<4x512xf32> to vector<1x512xf32>
      %mul3A_340 = vector.broadcast %slice3A_339 : vector<1x512xf32> to vector<256x512xf32>
      %mul3A_341 = arith.mulf %dot_general3A_338, %mul3A_340 : vector<256x512xf32>
      %add3A_342 = arith.addf %add3A_331, %mul3A_341 : vector<256x512xf32>
      %slice3A_343 = vector.extract_strided_slice %get3A_237 {offsets = [0, 0], sizes = [1, 512], strides = [1, 1]} : vector<2x512xf32> to vector<1x512xf32>
      %mul3A_344 = vector.broadcast %slice3A_343 : vector<1x512xf32> to vector<16x512xf32>
      %mul3A_345 = arith.mulf %get3A_227, %mul3A_344 : vector<16x512xf32>
      %slice3A_346 = vector.extract_strided_slice %get3A_237 {offsets = [1, 0], sizes = [1, 512], strides = [1, 1]} : vector<2x512xf32> to vector<1x512xf32>
      %mul3A_347 = vector.broadcast %slice3A_346 : vector<1x512xf32> to vector<16x512xf32>
      %mul3A_348 = arith.mulf %get3A_227, %mul3A_347 : vector<16x512xf32>
      %concatenate3A_349 = tpu.concatenate %mul3A_345, %mul3A_348 in 0 : vector<16x512xf32>, vector<16x512xf32> -> vector<32x512xf32>
      %get3A_350 = arith.constant 0 : index
      %get3A_351 = arith.constant 0 : index
      %get3A_352 = vector.load %arg5[%get3A_350, %get3A_351] : memref<256x32xf32, #tpu.memory_space<vmem>>, vector<256x32xf32>
      %dot_general3A_353 = arith.constant dense<0.000000e+00> : vector<256x512xf32>
      %dot_general3A_354 = tpu.matmul %get3A_352, %concatenate3A_349, %dot_general3A_353 {dimension_numbers = #tpu.dot_dimension_numbers<[1], [0], [0], [1], [0, 0, 1, 1], [], []>, transpose_lhs_hint = false} : vector<256x32xf32>, vector<32x512xf32>, vector<256x512xf32> -> vector<256x512xf32>
      %add3A_355 = arith.addf %add3A_342, %dot_general3A_354 : vector<256x512xf32>
      %slice3A_356 = vector.extract_strided_slice %add3A_355 {offsets = [0, 0], sizes = [16, 512], strides = [1, 1]} : vector<256x512xf32> to vector<16x512xf32>
      %slice3A_357 = vector.extract_strided_slice %get3A_227 {offsets = [0, 0], sizes = [1, 512], strides = [1, 1]} : vector<16x512xf32> to vector<1x512xf32>
      %mul3A_358 = vector.broadcast %slice3A_357 : vector<1x512xf32> to vector<16x512xf32>
      %mul3A_359 = arith.mulf %slice3A_356, %mul3A_358 : vector<16x512xf32>
      %slice3A_360 = vector.extract_strided_slice %add3A_355 {offsets = [16, 0], sizes = [16, 512], strides = [1, 1]} : vector<256x512xf32> to vector<16x512xf32>
      %slice3A_361 = vector.extract_strided_slice %get3A_227 {offsets = [1, 0], sizes = [1, 512], strides = [1, 1]} : vector<16x512xf32> to vector<1x512xf32>
      %mul3A_362 = vector.broadcast %slice3A_361 : vector<1x512xf32> to vector<16x512xf32>
      %mul3A_363 = arith.mulf %slice3A_360, %mul3A_362 : vector<16x512xf32>
      %add3A_364 = arith.addf %mul3A_359, %mul3A_363 : vector<16x512xf32>
      %slice3A_365 = vector.extract_strided_slice %add3A_355 {offsets = [32, 0], sizes = [16, 512], strides = [1, 1]} : vector<256x512xf32> to vector<16x512xf32>
      %slice3A_366 = vector.extract_strided_slice %get3A_227 {offsets = [2, 0], sizes = [1, 512], strides = [1, 1]} : vector<16x512xf32> to vector<1x512xf32>
      %mul3A_367 = vector.broadcast %slice3A_366 : vector<1x512xf32> to vector<16x512xf32>
      %mul3A_368 = arith.mulf %slice3A_365, %mul3A_367 : vector<16x512xf32>
      %add3A_369 = arith.addf %add3A_364, %mul3A_368 : vector<16x512xf32>
      %slice3A_370 = vector.extract_strided_slice %add3A_355 {offsets = [48, 0], sizes = [16, 512], strides = [1, 1]} : vector<256x512xf32> to vector<16x512xf32>
      %slice3A_371 = vector.extract_strided_slice %get3A_227 {offsets = [3, 0], sizes = [1, 512], strides = [1, 1]} : vector<16x512xf32> to vector<1x512xf32>
      %mul3A_372 = vector.broadcast %slice3A_371 : vector<1x512xf32> to vector<16x512xf32>
      %mul3A_373 = arith.mulf %slice3A_370, %mul3A_372 : vector<16x512xf32>
      %add3A_374 = arith.addf %add3A_369, %mul3A_373 : vector<16x512xf32>
      %slice3A_375 = vector.extract_strided_slice %add3A_355 {offsets = [64, 0], sizes = [16, 512], strides = [1, 1]} : vector<256x512xf32> to vector<16x512xf32>
      %slice3A_376 = vector.extract_strided_slice %get3A_227 {offsets = [4, 0], sizes = [1, 512], strides = [1, 1]} : vector<16x512xf32> to vector<1x512xf32>
      %mul3A_377 = vector.broadcast %slice3A_376 : vector<1x512xf32> to vector<16x512xf32>
      %mul3A_378 = arith.mulf %slice3A_375, %mul3A_377 : vector<16x512xf32>
      %add3A_379 = arith.addf %add3A_374, %mul3A_378 : vector<16x512xf32>
      %slice3A_380 = vector.extract_strided_slice %add3A_355 {offsets = [80, 0], sizes = [16, 512], strides = [1, 1]} : vector<256x512xf32> to vector<16x512xf32>
      %slice3A_381 = vector.extract_strided_slice %get3A_227 {offsets = [5, 0], sizes = [1, 512], strides = [1, 1]} : vector<16x512xf32> to vector<1x512xf32>
      %mul3A_382 = vector.broadcast %slice3A_381 : vector<1x512xf32> to vector<16x512xf32>
      %mul3A_383 = arith.mulf %slice3A_380, %mul3A_382 : vector<16x512xf32>
      %add3A_384 = arith.addf %add3A_379, %mul3A_383 : vector<16x512xf32>
      %slice3A_385 = vector.extract_strided_slice %add3A_355 {offsets = [96, 0], sizes = [16, 512], strides = [1, 1]} : vector<256x512xf32> to vector<16x512xf32>
      %slice3A_386 = vector.extract_strided_slice %get3A_227 {offsets = [6, 0], sizes = [1, 512], strides = [1, 1]} : vector<16x512xf32> to vector<1x512xf32>
      %mul3A_387 = vector.broadcast %slice3A_386 : vector<1x512xf32> to vector<16x512xf32>
      %mul3A_388 = arith.mulf %slice3A_385, %mul3A_387 : vector<16x512xf32>
      %add3A_389 = arith.addf %add3A_384, %mul3A_388 : vector<16x512xf32>
      %slice3A_390 = vector.extract_strided_slice %add3A_355 {offsets = [112, 0], sizes = [16, 512], strides = [1, 1]} : vector<256x512xf32> to vector<16x512xf32>
      %slice3A_391 = vector.extract_strided_slice %get3A_227 {offsets = [7, 0], sizes = [1, 512], strides = [1, 1]} : vector<16x512xf32> to vector<1x512xf32>
      %mul3A_392 = vector.broadcast %slice3A_391 : vector<1x512xf32> to vector<16x512xf32>
      %mul3A_393 = arith.mulf %slice3A_390, %mul3A_392 : vector<16x512xf32>
      %add3A_394 = arith.addf %add3A_389, %mul3A_393 : vector<16x512xf32>
      %slice3A_395 = vector.extract_strided_slice %add3A_355 {offsets = [128, 0], sizes = [16, 512], strides = [1, 1]} : vector<256x512xf32> to vector<16x512xf32>
      %slice3A_396 = vector.extract_strided_slice %get3A_227 {offsets = [8, 0], sizes = [1, 512], strides = [1, 1]} : vector<16x512xf32> to vector<1x512xf32>
      %mul3A_397 = vector.broadcast %slice3A_396 : vector<1x512xf32> to vector<16x512xf32>
      %mul3A_398 = arith.mulf %slice3A_395, %mul3A_397 : vector<16x512xf32>
      %add3A_399 = arith.addf %add3A_394, %mul3A_398 : vector<16x512xf32>
      %slice3A_400 = vector.extract_strided_slice %add3A_355 {offsets = [144, 0], sizes = [16, 512], strides = [1, 1]} : vector<256x512xf32> to vector<16x512xf32>
      %slice3A_401 = vector.extract_strided_slice %get3A_227 {offsets = [9, 0], sizes = [1, 512], strides = [1, 1]} : vector<16x512xf32> to vector<1x512xf32>
      %mul3A_402 = vector.broadcast %slice3A_401 : vector<1x512xf32> to vector<16x512xf32>
      %mul3A_403 = arith.mulf %slice3A_400, %mul3A_402 : vector<16x512xf32>
      %add3A_404 = arith.addf %add3A_399, %mul3A_403 : vector<16x512xf32>
      %slice3A_405 = vector.extract_strided_slice %add3A_355 {offsets = [160, 0], sizes = [16, 512], strides = [1, 1]} : vector<256x512xf32> to vector<16x512xf32>
      %slice3A_406 = vector.extract_strided_slice %get3A_227 {offsets = [10, 0], sizes = [1, 512], strides = [1, 1]} : vector<16x512xf32> to vector<1x512xf32>
      %mul3A_407 = vector.broadcast %slice3A_406 : vector<1x512xf32> to vector<16x512xf32>
      %mul3A_408 = arith.mulf %slice3A_405, %mul3A_407 : vector<16x512xf32>
      %add3A_409 = arith.addf %add3A_404, %mul3A_408 : vector<16x512xf32>
      %slice3A_410 = vector.extract_strided_slice %add3A_355 {offsets = [176, 0], sizes = [16, 512], strides = [1, 1]} : vector<256x512xf32> to vector<16x512xf32>
      %slice3A_411 = vector.extract_strided_slice %get3A_227 {offsets = [11, 0], sizes = [1, 512], strides = [1, 1]} : vector<16x512xf32> to vector<1x512xf32>
      %mul3A_412 = vector.broadcast %slice3A_411 : vector<1x512xf32> to vector<16x512xf32>
      %mul3A_413 = arith.mulf %slice3A_410, %mul3A_412 : vector<16x512xf32>
      %add3A_414 = arith.addf %add3A_409, %mul3A_413 : vector<16x512xf32>
      %slice3A_415 = vector.extract_strided_slice %add3A_355 {offsets = [192, 0], sizes = [16, 512], strides = [1, 1]} : vector<256x512xf32> to vector<16x512xf32>
      %slice3A_416 = vector.extract_strided_slice %get3A_227 {offsets = [12, 0], sizes = [1, 512], strides = [1, 1]} : vector<16x512xf32> to vector<1x512xf32>
      %mul3A_417 = vector.broadcast %slice3A_416 : vector<1x512xf32> to vector<16x512xf32>
      %mul3A_418 = arith.mulf %slice3A_415, %mul3A_417 : vector<16x512xf32>
      %add3A_419 = arith.addf %add3A_414, %mul3A_418 : vector<16x512xf32>
      %slice3A_420 = vector.extract_strided_slice %add3A_355 {offsets = [208, 0], sizes = [16, 512], strides = [1, 1]} : vector<256x512xf32> to vector<16x512xf32>
      %slice3A_421 = vector.extract_strided_slice %get3A_227 {offsets = [13, 0], sizes = [1, 512], strides = [1, 1]} : vector<16x512xf32> to vector<1x512xf32>
      %mul3A_422 = vector.broadcast %slice3A_421 : vector<1x512xf32> to vector<16x512xf32>
      %mul3A_423 = arith.mulf %slice3A_420, %mul3A_422 : vector<16x512xf32>
      %add3A_424 = arith.addf %add3A_419, %mul3A_423 : vector<16x512xf32>
      %slice3A_425 = vector.extract_strided_slice %add3A_355 {offsets = [224, 0], sizes = [16, 512], strides = [1, 1]} : vector<256x512xf32> to vector<16x512xf32>
      %slice3A_426 = vector.extract_strided_slice %get3A_227 {offsets = [14, 0], sizes = [1, 512], strides = [1, 1]} : vector<16x512xf32> to vector<1x512xf32>
      %mul3A_427 = vector.broadcast %slice3A_426 : vector<1x512xf32> to vector<16x512xf32>
      %mul3A_428 = arith.mulf %slice3A_425, %mul3A_427 : vector<16x512xf32>
      %add3A_429 = arith.addf %add3A_424, %mul3A_428 : vector<16x512xf32>
      %slice3A_430 = vector.extract_strided_slice %add3A_355 {offsets = [240, 0], sizes = [16, 512], strides = [1, 1]} : vector<256x512xf32> to vector<16x512xf32>
      %slice3A_431 = vector.extract_strided_slice %get3A_227 {offsets = [15, 0], sizes = [1, 512], strides = [1, 1]} : vector<16x512xf32> to vector<1x512xf32>
      %mul3A_432 = vector.broadcast %slice3A_431 : vector<1x512xf32> to vector<16x512xf32>
      %mul3A_433 = arith.mulf %slice3A_430, %mul3A_432 : vector<16x512xf32>
      %add3A_434 = arith.addf %add3A_429, %mul3A_433 : vector<16x512xf32>
      %swap3A_435 = arith.index_cast %add3A_222 : i32 to index
      %swap3A_436 = arith.constant 0 : index
      %swap3A_437 = arith.constant 0 : index
      %swap3A_438 = vector.load %arg7[%swap3A_435, %swap3A_436, %swap3A_437] : memref<64x16x512xf32, #tpu.memory_space<vmem>>, vector<1x16x512xf32>
      %swap3A_439 = vector.shape_cast %swap3A_438 : vector<1x16x512xf32> to vector<16x512xf32>
      %swap3A_440 = vector.shape_cast %add3A_434 : vector<16x512xf32> to vector<1x16x512xf32>
      tpu.vector_store %arg7[%swap3A_435, %swap3A_436, %swap3A_437], %swap3A_440 {strides = array<i32>} : memref<64x16x512xf32, #tpu.memory_space<vmem>>, vector<1x16x512xf32>,
      %mul3A_441 = arith.constant 8 : i32
      %mul3A_442 = arith.muli %scan3A_4, %mul3A_441 : i32
      %add3A_443 = arith.constant 2 : i32
      %add3A_444 = arith.addi %mul3A_442, %add3A_443 : i32
      %get3A_445 = arith.index_cast %add3A_444 : i32 to index
      %get3A_446 = arith.constant 0 : index
      %get3A_447 = arith.constant 0 : index
      %get3A_448 = vector.load %arg0[%get3A_445, %get3A_446, %get3A_447] : memref<64x16x512xf32, #tpu.memory_space<vmem>>, vector<1x16x512xf32>
      %get3A_449 = vector.shape_cast %get3A_448 : vector<1x16x512xf32> to vector<16x512xf32>
      %get3A_450 = arith.index_cast %add3A_444 : i32 to index
      %get3A_451 = arith.constant 0 : index
      %get3A_452 = arith.constant 0 : index
      %get3A_453 = vector.load %arg1[%get3A_450, %get3A_451, %get3A_452] : memref<64x4x512xf32, #tpu.memory_space<vmem>>, vector<1x4x512xf32>
      %get3A_454 = vector.shape_cast %get3A_453 : vector<1x4x512xf32> to vector<4x512xf32>
      %get3A_455 = arith.index_cast %add3A_444 : i32 to index
      %get3A_456 = arith.constant 0 : index
      %get3A_457 = arith.constant 0 : index
      %get3A_458 = vector.load %arg2[%get3A_455, %get3A_456, %get3A_457] : memref<64x2x512xf32, #tpu.memory_space<vmem>>, vector<1x2x512xf32>
      %get3A_459 = vector.shape_cast %get3A_458 : vector<1x2x512xf32> to vector<2x512xf32>
      %get3A_460 = arith.index_cast %add3A_444 : i32 to index
      %get3A_461 = arith.constant 0 : index
      %get3A_462 = arith.constant 0 : index
      %get3A_463 = vector.load %arg3[%get3A_460, %get3A_461, %get3A_462] : memref<64x1x512xf32, #tpu.memory_space<vmem>>, vector<1x1x512xf32>
      %get3A_464 = vector.shape_cast %get3A_463 : vector<1x1x512xf32> to vector<1x512xf32>
      %get3A_465 = arith.constant 0 : index
      %get3A_466 = arith.constant 0 : index
      %get3A_467 = vector.load %arg6[%get3A_465, %get3A_466] : memref<256x1xf32, #tpu.memory_space<vmem>>, vector<256x1xf32>
      %mul3A_468 = vector.broadcast %get3A_467 : vector<256x1xf32> to vector<256x512xf32>
      %mul3A_469 = vector.broadcast %get3A_464 : vector<1x512xf32> to vector<256x512xf32>
      %mul3A_470 = arith.mulf %mul3A_468, %mul3A_469 : vector<256x512xf32>
      %slice3A_471 = vector.extract_strided_slice %get3A_449 {offsets = [0, 0], sizes = [1, 512], strides = [1, 1]} : vector<16x512xf32> to vector<1x512xf32>
      %mul3A_472 = vector.broadcast %slice3A_471 : vector<1x512xf32> to vector<16x512xf32>
      %mul3A_473 = arith.mulf %get3A_449, %mul3A_472 : vector<16x512xf32>
      %slice3A_474 = vector.extract_strided_slice %get3A_449 {offsets = [1, 0], sizes = [1, 512], strides = [1, 1]} : vector<16x512xf32> to vector<1x512xf32>
      %mul3A_475 = vector.broadcast %slice3A_474 : vector<1x512xf32> to vector<16x512xf32>
      %mul3A_476 = arith.mulf %get3A_449, %mul3A_475 : vector<16x512xf32>
      %slice3A_477 = vector.extract_strided_slice %get3A_449 {offsets = [2, 0], sizes = [1, 512], strides = [1, 1]} : vector<16x512xf32> to vector<1x512xf32>
      %mul3A_478 = vector.broadcast %slice3A_477 : vector<1x512xf32> to vector<16x512xf32>
      %mul3A_479 = arith.mulf %get3A_449, %mul3A_478 : vector<16x512xf32>
      %slice3A_480 = vector.extract_strided_slice %get3A_449 {offsets = [3, 0], sizes = [1, 512], strides = [1, 1]} : vector<16x512xf32> to vector<1x512xf32>
      %mul3A_481 = vector.broadcast %slice3A_480 : vector<1x512xf32> to vector<16x512xf32>
      %mul3A_482 = arith.mulf %get3A_449, %mul3A_481 : vector<16x512xf32>
      %slice3A_483 = vector.extract_strided_slice %get3A_449 {offsets = [4, 0], sizes = [1, 512], strides = [1, 1]} : vector<16x512xf32> to vector<1x512xf32>
      %mul3A_484 = vector.broadcast %slice3A_483 : vector<1x512xf32> to vector<16x512xf32>
      %mul3A_485 = arith.mulf %get3A_449, %mul3A_484 : vector<16x512xf32>
      %slice3A_486 = vector.extract_strided_slice %get3A_449 {offsets = [5, 0], sizes = [1, 512], strides = [1, 1]} : vector<16x512xf32> to vector<1x512xf32>
      %mul3A_487 = vector.broadcast %slice3A_486 : vector<1x512xf32> to vector<16x512xf32>
      %mul3A_488 = arith.mulf %get3A_449, %mul3A_487 : vector<16x512xf32>
      %slice3A_489 = vector.extract_strided_slice %get3A_449 {offsets = [6, 0], sizes = [1, 512], strides = [1, 1]} : vector<16x512xf32> to vector<1x512xf32>
      %mul3A_490 = vector.broadcast %slice3A_489 : vector<1x512xf32> to vector<16x512xf32>
      %mul3A_491 = arith.mulf %get3A_449, %mul3A_490 : vector<16x512xf32>
      %slice3A_492 = vector.extract_strided_slice %get3A_449 {offsets = [7, 0], sizes = [1, 512], strides = [1, 1]} : vector<16x512xf32> to vector<1x512xf32>
      %mul3A_493 = vector.broadcast %slice3A_492 : vector<1x512xf32> to vector<16x512xf32>
      %mul3A_494 = arith.mulf %get3A_449, %mul3A_493 : vector<16x512xf32>
      %slice3A_495 = vector.extract_strided_slice %get3A_449 {offsets = [8, 0], sizes = [1, 512], strides = [1, 1]} : vector<16x512xf32> to vector<1x512xf32>
      %mul3A_496 = vector.broadcast %slice3A_495 : vector<1x512xf32> to vector<16x512xf32>
      %mul3A_497 = arith.mulf %get3A_449, %mul3A_496 : vector<16x512xf32>
      %slice3A_498 = vector.extract_strided_slice %get3A_449 {offsets = [9, 0], sizes = [1, 512], strides = [1, 1]} : vector<16x512xf32> to vector<1x512xf32>
      %mul3A_499 = vector.broadcast %slice3A_498 : vector<1x512xf32> to vector<16x512xf32>
      %mul3A_500 = arith.mulf %get3A_449, %mul3A_499 : vector<16x512xf32>
      %slice3A_501 = vector.extract_strided_slice %get3A_449 {offsets = [10, 0], sizes = [1, 512], strides = [1, 1]} : vector<16x512xf32> to vector<1x512xf32>
      %mul3A_502 = vector.broadcast %slice3A_501 : vector<1x512xf32> to vector<16x512xf32>
      %mul3A_503 = arith.mulf %get3A_449, %mul3A_502 : vector<16x512xf32>
      %slice3A_504 = vector.extract_strided_slice %get3A_449 {offsets = [11, 0], sizes = [1, 512], strides = [1, 1]} : vector<16x512xf32> to vector<1x512xf32>
      %mul3A_505 = vector.broadcast %slice3A_504 : vector<1x512xf32> to vector<16x512xf32>
      %mul3A_506 = arith.mulf %get3A_449, %mul3A_505 : vector<16x512xf32>
      %slice3A_507 = vector.extract_strided_slice %get3A_449 {offsets = [12, 0], sizes = [1, 512], strides = [1, 1]} : vector<16x512xf32> to vector<1x512xf32>
      %mul3A_508 = vector.broadcast %slice3A_507 : vector<1x512xf32> to vector<16x512xf32>
      %mul3A_509 = arith.mulf %get3A_449, %mul3A_508 : vector<16x512xf32>
      %slice3A_510 = vector.extract_strided_slice %get3A_449 {offsets = [13, 0], sizes = [1, 512], strides = [1, 1]} : vector<16x512xf32> to vector<1x512xf32>
      %mul3A_511 = vector.broadcast %slice3A_510 : vector<1x512xf32> to vector<16x512xf32>
      %mul3A_512 = arith.mulf %get3A_449, %mul3A_511 : vector<16x512xf32>
      %slice3A_513 = vector.extract_strided_slice %get3A_449 {offsets = [14, 0], sizes = [1, 512], strides = [1, 1]} : vector<16x512xf32> to vector<1x512xf32>
      %mul3A_514 = vector.broadcast %slice3A_513 : vector<1x512xf32> to vector<16x512xf32>
      %mul3A_515 = arith.mulf %get3A_449, %mul3A_514 : vector<16x512xf32>
      %slice3A_516 = vector.extract_strided_slice %get3A_449 {offsets = [15, 0], sizes = [1, 512], strides = [1, 1]} : vector<16x512xf32> to vector<1x512xf32>
      %mul3A_517 = vector.broadcast %slice3A_516 : vector<1x512xf32> to vector<16x512xf32>
      %mul3A_518 = arith.mulf %get3A_449, %mul3A_517 : vector<16x512xf32>
      %concatenate3A_519 = tpu.concatenate %mul3A_473, %mul3A_476, %mul3A_479, %mul3A_482, %mul3A_485, %mul3A_488, %mul3A_491, %mul3A_494, %mul3A_497, %mul3A_500, %mul3A_503, %mul3A_506, %mul3A_509, %mul3A_512, %mul3A_515, %mul3A_518 in 0 : vector<16x512xf32>, vector<16x512xf32>, vector<16x512xf32>, vector<16x512xf32>, vector<16x512xf32>, vector<16x512xf32>, vector<16x512xf32>, vector<16x512xf32>, vector<16x512xf32>, vector<16x512xf32>, vector<16x512xf32>, vector<16x512xf32>, vector<16x512xf32>, vector<16x512xf32>, vector<16x512xf32>, vector<16x512xf32> -> vector<256x512xf32>
      %convert_element_type3A_520 = arith.truncf %concatenate3A_519 : vector<256x512xf32> to vector<256x512xbf16>
      %get3A_521 = arith.constant 0 : index
      %get3A_522 = arith.constant 0 : index
      %get3A_523 = arith.constant 0 : index
      %get3A_524 = vector.load %arg4[%get3A_521, %get3A_522, %get3A_523] : memref<4x256x256xbf16, #tpu.memory_space<vmem>>, vector<1x256x256xbf16>
      %get3A_525 = vector.shape_cast %get3A_524 : vector<1x256x256xbf16> to vector<256x256xbf16>
      %dot_general3A_526 = arith.constant dense<0.000000e+00> : vector<256x512xf32>
      %dot_general3A_527 = tpu.matmul %get3A_525, %convert_element_type3A_520, %dot_general3A_526 {dimension_numbers = #tpu.dot_dimension_numbers<[1], [0], [0], [1], [0, 0, 1, 1], [], []>, transpose_lhs_hint = false} : vector<256x256xbf16>, vector<256x512xbf16>, vector<256x512xf32> -> vector<256x512xf32>
      %slice3A_528 = vector.extract_strided_slice %get3A_454 {offsets = [0, 0], sizes = [1, 512], strides = [1, 1]} : vector<4x512xf32> to vector<1x512xf32>
      %mul3A_529 = vector.broadcast %slice3A_528 : vector<1x512xf32> to vector<256x512xf32>
      %mul3A_530 = arith.mulf %dot_general3A_527, %mul3A_529 : vector<256x512xf32>
      %add3A_531 = arith.addf %mul3A_470, %mul3A_530 : vector<256x512xf32>
      %get3A_532 = arith.constant 1 : index
      %get3A_533 = arith.constant 0 : index
      %get3A_534 = arith.constant 0 : index
      %get3A_535 = vector.load %arg4[%get3A_532, %get3A_533, %get3A_534] : memref<4x256x256xbf16, #tpu.memory_space<vmem>>, vector<1x256x256xbf16>
      %get3A_536 = vector.shape_cast %get3A_535 : vector<1x256x256xbf16> to vector<256x256xbf16>
      %dot_general3A_537 = arith.constant dense<0.000000e+00> : vector<256x512xf32>
      %dot_general3A_538 = tpu.matmul %get3A_536, %convert_element_type3A_520, %dot_general3A_537 {dimension_numbers = #tpu.dot_dimension_numbers<[1], [0], [0], [1], [0, 0, 1, 1], [], []>, transpose_lhs_hint = false} : vector<256x256xbf16>, vector<256x512xbf16>, vector<256x512xf32> -> vector<256x512xf32>
      %slice3A_539 = vector.extract_strided_slice %get3A_454 {offsets = [1, 0], sizes = [1, 512], strides = [1, 1]} : vector<4x512xf32> to vector<1x512xf32>
      %mul3A_540 = vector.broadcast %slice3A_539 : vector<1x512xf32> to vector<256x512xf32>
      %mul3A_541 = arith.mulf %dot_general3A_538, %mul3A_540 : vector<256x512xf32>
      %add3A_542 = arith.addf %add3A_531, %mul3A_541 : vector<256x512xf32>
      %get3A_543 = arith.constant 2 : index
      %get3A_544 = arith.constant 0 : index
      %get3A_545 = arith.constant 0 : index
      %get3A_546 = vector.load %arg4[%get3A_543, %get3A_544, %get3A_545] : memref<4x256x256xbf16, #tpu.memory_space<vmem>>, vector<1x256x256xbf16>
      %get3A_547 = vector.shape_cast %get3A_546 : vector<1x256x256xbf16> to vector<256x256xbf16>
      %dot_general3A_548 = arith.constant dense<0.000000e+00> : vector<256x512xf32>
      %dot_general3A_549 = tpu.matmul %get3A_547, %convert_element_type3A_520, %dot_general3A_548 {dimension_numbers = #tpu.dot_dimension_numbers<[1], [0], [0], [1], [0, 0, 1, 1], [], []>, transpose_lhs_hint = false} : vector<256x256xbf16>, vector<256x512xbf16>, vector<256x512xf32> -> vector<256x512xf32>
      %slice3A_550 = vector.extract_strided_slice %get3A_454 {offsets = [2, 0], sizes = [1, 512], strides = [1, 1]} : vector<4x512xf32> to vector<1x512xf32>
      %mul3A_551 = vector.broadcast %slice3A_550 : vector<1x512xf32> to vector<256x512xf32>
      %mul3A_552 = arith.mulf %dot_general3A_549, %mul3A_551 : vector<256x512xf32>
      %add3A_553 = arith.addf %add3A_542, %mul3A_552 : vector<256x512xf32>
      %get3A_554 = arith.constant 3 : index
      %get3A_555 = arith.constant 0 : index
      %get3A_556 = arith.constant 0 : index
      %get3A_557 = vector.load %arg4[%get3A_554, %get3A_555, %get3A_556] : memref<4x256x256xbf16, #tpu.memory_space<vmem>>, vector<1x256x256xbf16>
      %get3A_558 = vector.shape_cast %get3A_557 : vector<1x256x256xbf16> to vector<256x256xbf16>
      %dot_general3A_559 = arith.constant dense<0.000000e+00> : vector<256x512xf32>
      %dot_general3A_560 = tpu.matmul %get3A_558, %convert_element_type3A_520, %dot_general3A_559 {dimension_numbers = #tpu.dot_dimension_numbers<[1], [0], [0], [1], [0, 0, 1, 1], [], []>, transpose_lhs_hint = false} : vector<256x256xbf16>, vector<256x512xbf16>, vector<256x512xf32> -> vector<256x512xf32>
      %slice3A_561 = vector.extract_strided_slice %get3A_454 {offsets = [3, 0], sizes = [1, 512], strides = [1, 1]} : vector<4x512xf32> to vector<1x512xf32>
      %mul3A_562 = vector.broadcast %slice3A_561 : vector<1x512xf32> to vector<256x512xf32>
      %mul3A_563 = arith.mulf %dot_general3A_560, %mul3A_562 : vector<256x512xf32>
      %add3A_564 = arith.addf %add3A_553, %mul3A_563 : vector<256x512xf32>
      %slice3A_565 = vector.extract_strided_slice %get3A_459 {offsets = [0, 0], sizes = [1, 512], strides = [1, 1]} : vector<2x512xf32> to vector<1x512xf32>
      %mul3A_566 = vector.broadcast %slice3A_565 : vector<1x512xf32> to vector<16x512xf32>
      %mul3A_567 = arith.mulf %get3A_449, %mul3A_566 : vector<16x512xf32>
      %slice3A_568 = vector.extract_strided_slice %get3A_459 {offsets = [1, 0], sizes = [1, 512], strides = [1, 1]} : vector<2x512xf32> to vector<1x512xf32>
      %mul3A_569 = vector.broadcast %slice3A_568 : vector<1x512xf32> to vector<16x512xf32>
      %mul3A_570 = arith.mulf %get3A_449, %mul3A_569 : vector<16x512xf32>
      %concatenate3A_571 = tpu.concatenate %mul3A_567, %mul3A_570 in 0 : vector<16x512xf32>, vector<16x512xf32> -> vector<32x512xf32>
      %get3A_572 = arith.constant 0 : index
      %get3A_573 = arith.constant 0 : index
      %get3A_574 = vector.load %arg5[%get3A_572, %get3A_573] : memref<256x32xf32, #tpu.memory_space<vmem>>, vector<256x32xf32>
      %dot_general3A_575 = arith.constant dense<0.000000e+00> : vector<256x512xf32>
      %dot_general3A_576 = tpu.matmul %get3A_574, %concatenate3A_571, %dot_general3A_575 {dimension_numbers = #tpu.dot_dimension_numbers<[1], [0], [0], [1], [0, 0, 1, 1], [], []>, transpose_lhs_hint = false} : vector<256x32xf32>, vector<32x512xf32>, vector<256x512xf32> -> vector<256x512xf32>
      %add3A_577 = arith.addf %add3A_564, %dot_general3A_576 : vector<256x512xf32>
      %slice3A_578 = vector.extract_strided_slice %add3A_577 {offsets = [0, 0], sizes = [16, 512], strides = [1, 1]} : vector<256x512xf32> to vector<16x512xf32>
      %slice3A_579 = vector.extract_strided_slice %get3A_449 {offsets = [0, 0], sizes = [1, 512], strides = [1, 1]} : vector<16x512xf32> to vector<1x512xf32>
      %mul3A_580 = vector.broadcast %slice3A_579 : vector<1x512xf32> to vector<16x512xf32>
      %mul3A_581 = arith.mulf %slice3A_578, %mul3A_580 : vector<16x512xf32>
      %slice3A_582 = vector.extract_strided_slice %add3A_577 {offsets = [16, 0], sizes = [16, 512], strides = [1, 1]} : vector<256x512xf32> to vector<16x512xf32>
      %slice3A_583 = vector.extract_strided_slice %get3A_449 {offsets = [1, 0], sizes = [1, 512], strides = [1, 1]} : vector<16x512xf32> to vector<1x512xf32>
      %mul3A_584 = vector.broadcast %slice3A_583 : vector<1x512xf32> to vector<16x512xf32>
      %mul3A_585 = arith.mulf %slice3A_582, %mul3A_584 : vector<16x512xf32>
      %add3A_586 = arith.addf %mul3A_581, %mul3A_585 : vector<16x512xf32>
      %slice3A_587 = vector.extract_strided_slice %add3A_577 {offsets = [32, 0], sizes = [16, 512], strides = [1, 1]} : vector<256x512xf32> to vector<16x512xf32>
      %slice3A_588 = vector.extract_strided_slice %get3A_449 {offsets = [2, 0], sizes = [1, 512], strides = [1, 1]} : vector<16x512xf32> to vector<1x512xf32>
      %mul3A_589 = vector.broadcast %slice3A_588 : vector<1x512xf32> to vector<16x512xf32>
      %mul3A_590 = arith.mulf %slice3A_587, %mul3A_589 : vector<16x512xf32>
      %add3A_591 = arith.addf %add3A_586, %mul3A_590 : vector<16x512xf32>
      %slice3A_592 = vector.extract_strided_slice %add3A_577 {offsets = [48, 0], sizes = [16, 512], strides = [1, 1]} : vector<256x512xf32> to vector<16x512xf32>
      %slice3A_593 = vector.extract_strided_slice %get3A_449 {offsets = [3, 0], sizes = [1, 512], strides = [1, 1]} : vector<16x512xf32> to vector<1x512xf32>
      %mul3A_594 = vector.broadcast %slice3A_593 : vector<1x512xf32> to vector<16x512xf32>
      %mul3A_595 = arith.mulf %slice3A_592, %mul3A_594 : vector<16x512xf32>
      %add3A_596 = arith.addf %add3A_591, %mul3A_595 : vector<16x512xf32>
      %slice3A_597 = vector.extract_strided_slice %add3A_577 {offsets = [64, 0], sizes = [16, 512], strides = [1, 1]} : vector<256x512xf32> to vector<16x512xf32>
      %slice3A_598 = vector.extract_strided_slice %get3A_449 {offsets = [4, 0], sizes = [1, 512], strides = [1, 1]} : vector<16x512xf32> to vector<1x512xf32>
      %mul3A_599 = vector.broadcast %slice3A_598 : vector<1x512xf32> to vector<16x512xf32>
      %mul3A_600 = arith.mulf %slice3A_597, %mul3A_599 : vector<16x512xf32>
      %add3A_601 = arith.addf %add3A_596, %mul3A_600 : vector<16x512xf32>
      %slice3A_602 = vector.extract_strided_slice %add3A_577 {offsets = [80, 0], sizes = [16, 512], strides = [1, 1]} : vector<256x512xf32> to vector<16x512xf32>
      %slice3A_603 = vector.extract_strided_slice %get3A_449 {offsets = [5, 0], sizes = [1, 512], strides = [1, 1]} : vector<16x512xf32> to vector<1x512xf32>
      %mul3A_604 = vector.broadcast %slice3A_603 : vector<1x512xf32> to vector<16x512xf32>
      %mul3A_605 = arith.mulf %slice3A_602, %mul3A_604 : vector<16x512xf32>
      %add3A_606 = arith.addf %add3A_601, %mul3A_605 : vector<16x512xf32>
      %slice3A_607 = vector.extract_strided_slice %add3A_577 {offsets = [96, 0], sizes = [16, 512], strides = [1, 1]} : vector<256x512xf32> to vector<16x512xf32>
      %slice3A_608 = vector.extract_strided_slice %get3A_449 {offsets = [6, 0], sizes = [1, 512], strides = [1, 1]} : vector<16x512xf32> to vector<1x512xf32>
      %mul3A_609 = vector.broadcast %slice3A_608 : vector<1x512xf32> to vector<16x512xf32>
      %mul3A_610 = arith.mulf %slice3A_607, %mul3A_609 : vector<16x512xf32>
      %add3A_611 = arith.addf %add3A_606, %mul3A_610 : vector<16x512xf32>
      %slice3A_612 = vector.extract_strided_slice %add3A_577 {offsets = [112, 0], sizes = [16, 512], strides = [1, 1]} : vector<256x512xf32> to vector<16x512xf32>
      %slice3A_613 = vector.extract_strided_slice %get3A_449 {offsets = [7, 0], sizes = [1, 512], strides = [1, 1]} : vector<16x512xf32> to vector<1x512xf32>
      %mul3A_614 = vector.broadcast %slice3A_613 : vector<1x512xf32> to vector<16x512xf32>
      %mul3A_615 = arith.mulf %slice3A_612, %mul3A_614 : vector<16x512xf32>
      %add3A_616 = arith.addf %add3A_611, %mul3A_615 : vector<16x512xf32>
      %slice3A_617 = vector.extract_strided_slice %add3A_577 {offsets = [128, 0], sizes = [16, 512], strides = [1, 1]} : vector<256x512xf32> to vector<16x512xf32>
      %slice3A_618 = vector.extract_strided_slice %get3A_449 {offsets = [8, 0], sizes = [1, 512], strides = [1, 1]} : vector<16x512xf32> to vector<1x512xf32>
      %mul3A_619 = vector.broadcast %slice3A_618 : vector<1x512xf32> to vector<16x512xf32>
      %mul3A_620 = arith.mulf %slice3A_617, %mul3A_619 : vector<16x512xf32>
      %add3A_621 = arith.addf %add3A_616, %mul3A_620 : vector<16x512xf32>
      %slice3A_622 = vector.extract_strided_slice %add3A_577 {offsets = [144, 0], sizes = [16, 512], strides = [1, 1]} : vector<256x512xf32> to vector<16x512xf32>
      %slice3A_623 = vector.extract_strided_slice %get3A_449 {offsets = [9, 0], sizes = [1, 512], strides = [1, 1]} : vector<16x512xf32> to vector<1x512xf32>
      %mul3A_624 = vector.broadcast %slice3A_623 : vector<1x512xf32> to vector<16x512xf32>
      %mul3A_625 = arith.mulf %slice3A_622, %mul3A_624 : vector<16x512xf32>
      %add3A_626 = arith.addf %add3A_621, %mul3A_625 : vector<16x512xf32>
      %slice3A_627 = vector.extract_strided_slice %add3A_577 {offsets = [160, 0], sizes = [16, 512], strides = [1, 1]} : vector<256x512xf32> to vector<16x512xf32>
      %slice3A_628 = vector.extract_strided_slice %get3A_449 {offsets = [10, 0], sizes = [1, 512], strides = [1, 1]} : vector<16x512xf32> to vector<1x512xf32>
      %mul3A_629 = vector.broadcast %slice3A_628 : vector<1x512xf32> to vector<16x512xf32>
      %mul3A_630 = arith.mulf %slice3A_627, %mul3A_629 : vector<16x512xf32>
      %add3A_631 = arith.addf %add3A_626, %mul3A_630 : vector<16x512xf32>
      %slice3A_632 = vector.extract_strided_slice %add3A_577 {offsets = [176, 0], sizes = [16, 512], strides = [1, 1]} : vector<256x512xf32> to vector<16x512xf32>
      %slice3A_633 = vector.extract_strided_slice %get3A_449 {offsets = [11, 0], sizes = [1, 512], strides = [1, 1]} : vector<16x512xf32> to vector<1x512xf32>
      %mul3A_634 = vector.broadcast %slice3A_633 : vector<1x512xf32> to vector<16x512xf32>
      %mul3A_635 = arith.mulf %slice3A_632, %mul3A_634 : vector<16x512xf32>
      %add3A_636 = arith.addf %add3A_631, %mul3A_635 : vector<16x512xf32>
      %slice3A_637 = vector.extract_strided_slice %add3A_577 {offsets = [192, 0], sizes = [16, 512], strides = [1, 1]} : vector<256x512xf32> to vector<16x512xf32>
      %slice3A_638 = vector.extract_strided_slice %get3A_449 {offsets = [12, 0], sizes = [1, 512], strides = [1, 1]} : vector<16x512xf32> to vector<1x512xf32>
      %mul3A_639 = vector.broadcast %slice3A_638 : vector<1x512xf32> to vector<16x512xf32>
      %mul3A_640 = arith.mulf %slice3A_637, %mul3A_639 : vector<16x512xf32>
      %add3A_641 = arith.addf %add3A_636, %mul3A_640 : vector<16x512xf32>
      %slice3A_642 = vector.extract_strided_slice %add3A_577 {offsets = [208, 0], sizes = [16, 512], strides = [1, 1]} : vector<256x512xf32> to vector<16x512xf32>
      %slice3A_643 = vector.extract_strided_slice %get3A_449 {offsets = [13, 0], sizes = [1, 512], strides = [1, 1]} : vector<16x512xf32> to vector<1x512xf32>
      %mul3A_644 = vector.broadcast %slice3A_643 : vector<1x512xf32> to vector<16x512xf32>
      %mul3A_645 = arith.mulf %slice3A_642, %mul3A_644 : vector<16x512xf32>
      %add3A_646 = arith.addf %add3A_641, %mul3A_645 : vector<16x512xf32>
      %slice3A_647 = vector.extract_strided_slice %add3A_577 {offsets = [224, 0], sizes = [16, 512], strides = [1, 1]} : vector<256x512xf32> to vector<16x512xf32>
      %slice3A_648 = vector.extract_strided_slice %get3A_449 {offsets = [14, 0], sizes = [1, 512], strides = [1, 1]} : vector<16x512xf32> to vector<1x512xf32>
      %mul3A_649 = vector.broadcast %slice3A_648 : vector<1x512xf32> to vector<16x512xf32>
      %mul3A_650 = arith.mulf %slice3A_647, %mul3A_649 : vector<16x512xf32>
      %add3A_651 = arith.addf %add3A_646, %mul3A_650 : vector<16x512xf32>
      %slice3A_652 = vector.extract_strided_slice %add3A_577 {offsets = [240, 0], sizes = [16, 512], strides = [1, 1]} : vector<256x512xf32> to vector<16x512xf32>
      %slice3A_653 = vector.extract_strided_slice %get3A_449 {offsets = [15, 0], sizes = [1, 512], strides = [1, 1]} : vector<16x512xf32> to vector<1x512xf32>
      %mul3A_654 = vector.broadcast %slice3A_653 : vector<1x512xf32> to vector<16x512xf32>
      %mul3A_655 = arith.mulf %slice3A_652, %mul3A_654 : vector<16x512xf32>
      %add3A_656 = arith.addf %add3A_651, %mul3A_655 : vector<16x512xf32>
      %swap3A_657 = arith.index_cast %add3A_444 : i32 to index
      %swap3A_658 = arith.constant 0 : index
      %swap3A_659 = arith.constant 0 : index
      %swap3A_660 = vector.load %arg7[%swap3A_657, %swap3A_658, %swap3A_659] : memref<64x16x512xf32, #tpu.memory_space<vmem>>, vector<1x16x512xf32>
      %swap3A_661 = vector.shape_cast %swap3A_660 : vector<1x16x512xf32> to vector<16x512xf32>
      %swap3A_662 = vector.shape_cast %add3A_656 : vector<16x512xf32> to vector<1x16x512xf32>
      tpu.vector_store %arg7[%swap3A_657, %swap3A_658, %swap3A_659], %swap3A_662 {strides = array<i32>} : memref<64x16x512xf32, #tpu.memory_space<vmem>>, vector<1x16x512xf32>,
      %mul3A_663 = arith.constant 8 : i32
      %mul3A_664 = arith.muli %scan3A_4, %mul3A_663 : i32
      %add3A_665 = arith.constant 3 : i32
      %add3A_666 = arith.addi %mul3A_664, %add3A_665 : i32
      %get3A_667 = arith.index_cast %add3A_666 : i32 to index
      %get3A_668 = arith.constant 0 : index
      %get3A_669 = arith.constant 0 : index
      %get3A_670 = vector.load %arg0[%get3A_667, %get3A_668, %get3A_669] : memref<64x16x512xf32, #tpu.memory_space<vmem>>, vector<1x16x512xf32>
      %get3A_671 = vector.shape_cast %get3A_670 : vector<1x16x512xf32> to vector<16x512xf32>
      %get3A_672 = arith.index_cast %add3A_666 : i32 to index
      %get3A_673 = arith.constant 0 : index
      %get3A_674 = arith.constant 0 : index
      %get3A_675 = vector.load %arg1[%get3A_672, %get3A_673, %get3A_674] : memref<64x4x512xf32, #tpu.memory_space<vmem>>, vector<1x4x512xf32>
      %get3A_676 = vector.shape_cast %get3A_675 : vector<1x4x512xf32> to vector<4x512xf32>
      %get3A_677 = arith.index_cast %add3A_666 : i32 to index
      %get3A_678 = arith.constant 0 : index
      %get3A_679 = arith.constant 0 : index
      %get3A_680 = vector.load %arg2[%get3A_677, %get3A_678, %get3A_679] : memref<64x2x512xf32, #tpu.memory_space<vmem>>, vector<1x2x512xf32>
      %get3A_681 = vector.shape_cast %get3A_680 : vector<1x2x512xf32> to vector<2x512xf32>
      %get3A_682 = arith.index_cast %add3A_666 : i32 to index
      %get3A_683 = arith.constant 0 : index
      %get3A_684 = arith.constant 0 : index
      %get3A_685 = vector.load %arg3[%get3A_682, %get3A_683, %get3A_684] : memref<64x1x512xf32, #tpu.memory_space<vmem>>, vector<1x1x512xf32>
      %get3A_686 = vector.shape_cast %get3A_685 : vector<1x1x512xf32> to vector<1x512xf32>
      %get3A_687 = arith.constant 0 : index
      %get3A_688 = arith.constant 0 : index
      %get3A_689 = vector.load %arg6[%get3A_687, %get3A_688] : memref<256x1xf32, #tpu.memory_space<vmem>>, vector<256x1xf32>
      %mul3A_690 = vector.broadcast %get3A_689 : vector<256x1xf32> to vector<256x512xf32>
      %mul3A_691 = vector.broadcast %get3A_686 : vector<1x512xf32> to vector<256x512xf32>
      %mul3A_692 = arith.mulf %mul3A_690, %mul3A_691 : vector<256x512xf32>
      %slice3A_693 = vector.extract_strided_slice %get3A_671 {offsets = [0, 0], sizes = [1, 512], strides = [1, 1]} : vector<16x512xf32> to vector<1x512xf32>
      %mul3A_694 = vector.broadcast %slice3A_693 : vector<1x512xf32> to vector<16x512xf32>
      %mul3A_695 = arith.mulf %get3A_671, %mul3A_694 : vector<16x512xf32>
      %slice3A_696 = vector.extract_strided_slice %get3A_671 {offsets = [1, 0], sizes = [1, 512], strides = [1, 1]} : vector<16x512xf32> to vector<1x512xf32>
      %mul3A_697 = vector.broadcast %slice3A_696 : vector<1x512xf32> to vector<16x512xf32>
      %mul3A_698 = arith.mulf %get3A_671, %mul3A_697 : vector<16x512xf32>
      %slice3A_699 = vector.extract_strided_slice %get3A_671 {offsets = [2, 0], sizes = [1, 512], strides = [1, 1]} : vector<16x512xf32> to vector<1x512xf32>
      %mul3A_700 = vector.broadcast %slice3A_699 : vector<1x512xf32> to vector<16x512xf32>
      %mul3A_701 = arith.mulf %get3A_671, %mul3A_700 : vector<16x512xf32>
      %slice3A_702 = vector.extract_strided_slice %get3A_671 {offsets = [3, 0], sizes = [1, 512], strides = [1, 1]} : vector<16x512xf32> to vector<1x512xf32>
      %mul3A_703 = vector.broadcast %slice3A_702 : vector<1x512xf32> to vector<16x512xf32>
      %mul3A_704 = arith.mulf %get3A_671, %mul3A_703 : vector<16x512xf32>
      %slice3A_705 = vector.extract_strided_slice %get3A_671 {offsets = [4, 0], sizes = [1, 512], strides = [1, 1]} : vector<16x512xf32> to vector<1x512xf32>
      %mul3A_706 = vector.broadcast %slice3A_705 : vector<1x512xf32> to vector<16x512xf32>
      %mul3A_707 = arith.mulf %get3A_671, %mul3A_706 : vector<16x512xf32>
      %slice3A_708 = vector.extract_strided_slice %get3A_671 {offsets = [5, 0], sizes = [1, 512], strides = [1, 1]} : vector<16x512xf32> to vector<1x512xf32>
      %mul3A_709 = vector.broadcast %slice3A_708 : vector<1x512xf32> to vector<16x512xf32>
      %mul3A_710 = arith.mulf %get3A_671, %mul3A_709 : vector<16x512xf32>
      %slice3A_711 = vector.extract_strided_slice %get3A_671 {offsets = [6, 0], sizes = [1, 512], strides = [1, 1]} : vector<16x512xf32> to vector<1x512xf32>
      %mul3A_712 = vector.broadcast %slice3A_711 : vector<1x512xf32> to vector<16x512xf32>
      %mul3A_713 = arith.mulf %get3A_671, %mul3A_712 : vector<16x512xf32>
      %slice3A_714 = vector.extract_strided_slice %get3A_671 {offsets = [7, 0], sizes = [1, 512], strides = [1, 1]} : vector<16x512xf32> to vector<1x512xf32>
      %mul3A_715 = vector.broadcast %slice3A_714 : vector<1x512xf32> to vector<16x512xf32>
      %mul3A_716 = arith.mulf %get3A_671, %mul3A_715 : vector<16x512xf32>
      %slice3A_717 = vector.extract_strided_slice %get3A_671 {offsets = [8, 0], sizes = [1, 512], strides = [1, 1]} : vector<16x512xf32> to vector<1x512xf32>
      %mul3A_718 = vector.broadcast %slice3A_717 : vector<1x512xf32> to vector<16x512xf32>
      %mul3A_719 = arith.mulf %get3A_671, %mul3A_718 : vector<16x512xf32>
      %slice3A_720 = vector.extract_strided_slice %get3A_671 {offsets = [9, 0], sizes = [1, 512], strides = [1, 1]} : vector<16x512xf32> to vector<1x512xf32>
      %mul3A_721 = vector.broadcast %slice3A_720 : vector<1x512xf32> to vector<16x512xf32>
      %mul3A_722 = arith.mulf %get3A_671, %mul3A_721 : vector<16x512xf32>
      %slice3A_723 = vector.extract_strided_slice %get3A_671 {offsets = [10, 0], sizes = [1, 512], strides = [1, 1]} : vector<16x512xf32> to vector<1x512xf32>
      %mul3A_724 = vector.broadcast %slice3A_723 : vector<1x512xf32> to vector<16x512xf32>
      %mul3A_725 = arith.mulf %get3A_671, %mul3A_724 : vector<16x512xf32>
      %slice3A_726 = vector.extract_strided_slice %get3A_671 {offsets = [11, 0], sizes = [1, 512], strides = [1, 1]} : vector<16x512xf32> to vector<1x512xf32>
      %mul3A_727 = vector.broadcast %slice3A_726 : vector<1x512xf32> to vector<16x512xf32>
      %mul3A_728 = arith.mulf %get3A_671, %mul3A_727 : vector<16x512xf32>
      %slice3A_729 = vector.extract_strided_slice %get3A_671 {offsets = [12, 0], sizes = [1, 512], strides = [1, 1]} : vector<16x512xf32> to vector<1x512xf32>
      %mul3A_730 = vector.broadcast %slice3A_729 : vector<1x512xf32> to vector<16x512xf32>
      %mul3A_731 = arith.mulf %get3A_671, %mul3A_730 : vector<16x512xf32>
      %slice3A_732 = vector.extract_strided_slice %get3A_671 {offsets = [13, 0], sizes = [1, 512], strides = [1, 1]} : vector<16x512xf32> to vector<1x512xf32>
      %mul3A_733 = vector.broadcast %slice3A_732 : vector<1x512xf32> to vector<16x512xf32>
      %mul3A_734 = arith.mulf %get3A_671, %mul3A_733 : vector<16x512xf32>
      %slice3A_735 = vector.extract_strided_slice %get3A_671 {offsets = [14, 0], sizes = [1, 512], strides = [1, 1]} : vector<16x512xf32> to vector<1x512xf32>
      %mul3A_736 = vector.broadcast %slice3A_735 : vector<1x512xf32> to vector<16x512xf32>
      %mul3A_737 = arith.mulf %get3A_671, %mul3A_736 : vector<16x512xf32>
      %slice3A_738 = vector.extract_strided_slice %get3A_671 {offsets = [15, 0], sizes = [1, 512], strides = [1, 1]} : vector<16x512xf32> to vector<1x512xf32>
      %mul3A_739 = vector.broadcast %slice3A_738 : vector<1x512xf32> to vector<16x512xf32>
      %mul3A_740 = arith.mulf %get3A_671, %mul3A_739 : vector<16x512xf32>
      %concatenate3A_741 = tpu.concatenate %mul3A_695, %mul3A_698, %mul3A_701, %mul3A_704, %mul3A_707, %mul3A_710, %mul3A_713, %mul3A_716, %mul3A_719, %mul3A_722, %mul3A_725, %mul3A_728, %mul3A_731, %mul3A_734, %mul3A_737, %mul3A_740 in 0 : vector<16x512xf32>, vector<16x512xf32>, vector<16x512xf32>, vector<16x512xf32>, vector<16x512xf32>, vector<16x512xf32>, vector<16x512xf32>, vector<16x512xf32>, vector<16x512xf32>, vector<16x512xf32>, vector<16x512xf32>, vector<16x512xf32>, vector<16x512xf32>, vector<16x512xf32>, vector<16x512xf32>, vector<16x512xf32> -> vector<256x512xf32>
      %convert_element_type3A_742 = arith.truncf %concatenate3A_741 : vector<256x512xf32> to vector<256x512xbf16>
      %get3A_743 = arith.constant 0 : index
      %get3A_744 = arith.constant 0 : index
      %get3A_745 = arith.constant 0 : index
      %get3A_746 = vector.load %arg4[%get3A_743, %get3A_744, %get3A_745] : memref<4x256x256xbf16, #tpu.memory_space<vmem>>, vector<1x256x256xbf16>
      %get3A_747 = vector.shape_cast %get3A_746 : vector<1x256x256xbf16> to vector<256x256xbf16>
      %dot_general3A_748 = arith.constant dense<0.000000e+00> : vector<256x512xf32>
      %dot_general3A_749 = tpu.matmul %get3A_747, %convert_element_type3A_742, %dot_general3A_748 {dimension_numbers = #tpu.dot_dimension_numbers<[1], [0], [0], [1], [0, 0, 1, 1], [], []>, transpose_lhs_hint = false} : vector<256x256xbf16>, vector<256x512xbf16>, vector<256x512xf32> -> vector<256x512xf32>
      %slice3A_750 = vector.extract_strided_slice %get3A_676 {offsets = [0, 0], sizes = [1, 512], strides = [1, 1]} : vector<4x512xf32> to vector<1x512xf32>
      %mul3A_751 = vector.broadcast %slice3A_750 : vector<1x512xf32> to vector<256x512xf32>
      %mul3A_752 = arith.mulf %dot_general3A_749, %mul3A_751 : vector<256x512xf32>
      %add3A_753 = arith.addf %mul3A_692, %mul3A_752 : vector<256x512xf32>
      %get3A_754 = arith.constant 1 : index
      %get3A_755 = arith.constant 0 : index
      %get3A_756 = arith.constant 0 : index
      %get3A_757 = vector.load %arg4[%get3A_754, %get3A_755, %get3A_756] : memref<4x256x256xbf16, #tpu.memory_space<vmem>>, vector<1x256x256xbf16>
      %get3A_758 = vector.shape_cast %get3A_757 : vector<1x256x256xbf16> to vector<256x256xbf16>
      %dot_general3A_759 = arith.constant dense<0.000000e+00> : vector<256x512xf32>
      %dot_general3A_760 = tpu.matmul %get3A_758, %convert_element_type3A_742, %dot_general3A_759 {dimension_numbers = #tpu.dot_dimension_numbers<[1], [0], [0], [1], [0, 0, 1, 1], [], []>, transpose_lhs_hint = false} : vector<256x256xbf16>, vector<256x512xbf16>, vector<256x512xf32> -> vector<256x512xf32>
      %slice3A_761 = vector.extract_strided_slice %get3A_676 {offsets = [1, 0], sizes = [1, 512], strides = [1, 1]} : vector<4x512xf32> to vector<1x512xf32>
      %mul3A_762 = vector.broadcast %slice3A_761 : vector<1x512xf32> to vector<256x512xf32>
      %mul3A_763 = arith.mulf %dot_general3A_760, %mul3A_762 : vector<256x512xf32>
      %add3A_764 = arith.addf %add3A_753, %mul3A_763 : vector<256x512xf32>
      %get3A_765 = arith.constant 2 : index
      %get3A_766 = arith.constant 0 : index
      %get3A_767 = arith.constant 0 : index
      %get3A_768 = vector.load %arg4[%get3A_765, %get3A_766, %get3A_767] : memref<4x256x256xbf16, #tpu.memory_space<vmem>>, vector<1x256x256xbf16>
      %get3A_769 = vector.shape_cast %get3A_768 : vector<1x256x256xbf16> to vector<256x256xbf16>
      %dot_general3A_770 = arith.constant dense<0.000000e+00> : vector<256x512xf32>
      %dot_general3A_771 = tpu.matmul %get3A_769, %convert_element_type3A_742, %dot_general3A_770 {dimension_numbers = #tpu.dot_dimension_numbers<[1], [0], [0], [1], [0, 0, 1, 1], [], []>, transpose_lhs_hint = false} : vector<256x256xbf16>, vector<256x512xbf16>, vector<256x512xf32> -> vector<256x512xf32>
      %slice3A_772 = vector.extract_strided_slice %get3A_676 {offsets = [2, 0], sizes = [1, 512], strides = [1, 1]} : vector<4x512xf32> to vector<1x512xf32>
      %mul3A_773 = vector.broadcast %slice3A_772 : vector<1x512xf32> to vector<256x512xf32>
      %mul3A_774 = arith.mulf %dot_general3A_771, %mul3A_773 : vector<256x512xf32>
      %add3A_775 = arith.addf %add3A_764, %mul3A_774 : vector<256x512xf32>
      %get3A_776 = arith.constant 3 : index
      %get3A_777 = arith.constant 0 : index
      %get3A_778 = arith.constant 0 : index
      %get3A_779 = vector.load %arg4[%get3A_776, %get3A_777, %get3A_778] : memref<4x256x256xbf16, #tpu.memory_space<vmem>>, vector<1x256x256xbf16>
      %get3A_780 = vector.shape_cast %get3A_779 : vector<1x256x256xbf16> to vector<256x256xbf16>
      %dot_general3A_781 = arith.constant dense<0.000000e+00> : vector<256x512xf32>
      %dot_general3A_782 = tpu.matmul %get3A_780, %convert_element_type3A_742, %dot_general3A_781 {dimension_numbers = #tpu.dot_dimension_numbers<[1], [0], [0], [1], [0, 0, 1, 1], [], []>, transpose_lhs_hint = false} : vector<256x256xbf16>, vector<256x512xbf16>, vector<256x512xf32> -> vector<256x512xf32>
      %slice3A_783 = vector.extract_strided_slice %get3A_676 {offsets = [3, 0], sizes = [1, 512], strides = [1, 1]} : vector<4x512xf32> to vector<1x512xf32>
      %mul3A_784 = vector.broadcast %slice3A_783 : vector<1x512xf32> to vector<256x512xf32>
      %mul3A_785 = arith.mulf %dot_general3A_782, %mul3A_784 : vector<256x512xf32>
      %add3A_786 = arith.addf %add3A_775, %mul3A_785 : vector<256x512xf32>
      %slice3A_787 = vector.extract_strided_slice %get3A_681 {offsets = [0, 0], sizes = [1, 512], strides = [1, 1]} : vector<2x512xf32> to vector<1x512xf32>
      %mul3A_788 = vector.broadcast %slice3A_787 : vector<1x512xf32> to vector<16x512xf32>
      %mul3A_789 = arith.mulf %get3A_671, %mul3A_788 : vector<16x512xf32>
      %slice3A_790 = vector.extract_strided_slice %get3A_681 {offsets = [1, 0], sizes = [1, 512], strides = [1, 1]} : vector<2x512xf32> to vector<1x512xf32>
      %mul3A_791 = vector.broadcast %slice3A_790 : vector<1x512xf32> to vector<16x512xf32>
      %mul3A_792 = arith.mulf %get3A_671, %mul3A_791 : vector<16x512xf32>
      %concatenate3A_793 = tpu.concatenate %mul3A_789, %mul3A_792 in 0 : vector<16x512xf32>, vector<16x512xf32> -> vector<32x512xf32>
      %get3A_794 = arith.constant 0 : index
      %get3A_795 = arith.constant 0 : index
      %get3A_796 = vector.load %arg5[%get3A_794, %get3A_795] : memref<256x32xf32, #tpu.memory_space<vmem>>, vector<256x32xf32>
      %dot_general3A_797 = arith.constant dense<0.000000e+00> : vector<256x512xf32>
      %dot_general3A_798 = tpu.matmul %get3A_796, %concatenate3A_793, %dot_general3A_797 {dimension_numbers = #tpu.dot_dimension_numbers<[1], [0], [0], [1], [0, 0, 1, 1], [], []>, transpose_lhs_hint = false} : vector<256x32xf32>, vector<32x512xf32>, vector<256x512xf32> -> vector<256x512xf32>
      %add3A_799 = arith.addf %add3A_786, %dot_general3A_798 : vector<256x512xf32>
      %slice3A_800 = vector.extract_strided_slice %add3A_799 {offsets = [0, 0], sizes = [16, 512], strides = [1, 1]} : vector<256x512xf32> to vector<16x512xf32>
      %slice3A_801 = vector.extract_strided_slice %get3A_671 {offsets = [0, 0], sizes = [1, 512], strides = [1, 1]} : vector<16x512xf32> to vector<1x512xf32>
      %mul3A_802 = vector.broadcast %slice3A_801 : vector<1x512xf32> to vector<16x512xf32>
      %mul3A_803 = arith.mulf %slice3A_800, %mul3A_802 : vector<16x512xf32>
      %slice3A_804 = vector.extract_strided_slice %add3A_799 {offsets = [16, 0], sizes = [16, 512], strides = [1, 1]} : vector<256x512xf32> to vector<16x512xf32>
      %slice3A_805 = vector.extract_strided_slice %get3A_671 {offsets = [1, 0], sizes = [1, 512], strides = [1, 1]} : vector<16x512xf32> to vector<1x512xf32>
      %mul3A_806 = vector.broadcast %slice3A_805 : vector<1x512xf32> to vector<16x512xf32>
      %mul3A_807 = arith.mulf %slice3A_804, %mul3A_806 : vector<16x512xf32>
      %add3A_808 = arith.addf %mul3A_803, %mul3A_807 : vector<16x512xf32>
      %slice3A_809 = vector.extract_strided_slice %add3A_799 {offsets = [32, 0], sizes = [16, 512], strides = [1, 1]} : vector<256x512xf32> to vector<16x512xf32>
      %slice3A_810 = vector.extract_strided_slice %get3A_671 {offsets = [2, 0], sizes = [1, 512], strides = [1, 1]} : vector<16x512xf32> to vector<1x512xf32>
      %mul3A_811 = vector.broadcast %slice3A_810 : vector<1x512xf32> to vector<16x512xf32>
      %mul3A_812 = arith.mulf %slice3A_809, %mul3A_811 : vector<16x512xf32>
      %add3A_813 = arith.addf %add3A_808, %mul3A_812 : vector<16x512xf32>
      %slice3A_814 = vector.extract_strided_slice %add3A_799 {offsets = [48, 0], sizes = [16, 512], strides = [1, 1]} : vector<256x512xf32> to vector<16x512xf32>
      %slice3A_815 = vector.extract_strided_slice %get3A_671 {offsets = [3, 0], sizes = [1, 512], strides = [1, 1]} : vector<16x512xf32> to vector<1x512xf32>
      %mul3A_816 = vector.broadcast %slice3A_815 : vector<1x512xf32> to vector<16x512xf32>
      %mul3A_817 = arith.mulf %slice3A_814, %mul3A_816 : vector<16x512xf32>
      %add3A_818 = arith.addf %add3A_813, %mul3A_817 : vector<16x512xf32>
      %slice3A_819 = vector.extract_strided_slice %add3A_799 {offsets = [64, 0], sizes = [16, 512], strides = [1, 1]} : vector<256x512xf32> to vector<16x512xf32>
      %slice3A_820 = vector.extract_strided_slice %get3A_671 {offsets = [4, 0], sizes = [1, 512], strides = [1, 1]} : vector<16x512xf32> to vector<1x512xf32>
      %mul3A_821 = vector.broadcast %slice3A_820 : vector<1x512xf32> to vector<16x512xf32>
      %mul3A_822 = arith.mulf %slice3A_819, %mul3A_821 : vector<16x512xf32>
      %add3A_823 = arith.addf %add3A_818, %mul3A_822 : vector<16x512xf32>
      %slice3A_824 = vector.extract_strided_slice %add3A_799 {offsets = [80, 0], sizes = [16, 512], strides = [1, 1]} : vector<256x512xf32> to vector<16x512xf32>
      %slice3A_825 = vector.extract_strided_slice %get3A_671 {offsets = [5, 0], sizes = [1, 512], strides = [1, 1]} : vector<16x512xf32> to vector<1x512xf32>
      %mul3A_826 = vector.broadcast %slice3A_825 : vector<1x512xf32> to vector<16x512xf32>
      %mul3A_827 = arith.mulf %slice3A_824, %mul3A_826 : vector<16x512xf32>
      %add3A_828 = arith.addf %add3A_823, %mul3A_827 : vector<16x512xf32>
      %slice3A_829 = vector.extract_strided_slice %add3A_799 {offsets = [96, 0], sizes = [16, 512], strides = [1, 1]} : vector<256x512xf32> to vector<16x512xf32>
      %slice3A_830 = vector.extract_strided_slice %get3A_671 {offsets = [6, 0], sizes = [1, 512], strides = [1, 1]} : vector<16x512xf32> to vector<1x512xf32>
      %mul3A_831 = vector.broadcast %slice3A_830 : vector<1x512xf32> to vector<16x512xf32>
      %mul3A_832 = arith.mulf %slice3A_829, %mul3A_831 : vector<16x512xf32>
      %add3A_833 = arith.addf %add3A_828, %mul3A_832 : vector<16x512xf32>
      %slice3A_834 = vector.extract_strided_slice %add3A_799 {offsets = [112, 0], sizes = [16, 512], strides = [1, 1]} : vector<256x512xf32> to vector<16x512xf32>
      %slice3A_835 = vector.extract_strided_slice %get3A_671 {offsets = [7, 0], sizes = [1, 512], strides = [1, 1]} : vector<16x512xf32> to vector<1x512xf32>
      %mul3A_836 = vector.broadcast %slice3A_835 : vector<1x512xf32> to vector<16x512xf32>
      %mul3A_837 = arith.mulf %slice3A_834, %mul3A_836 : vector<16x512xf32>
      %add3A_838 = arith.addf %add3A_833, %mul3A_837 : vector<16x512xf32>
      %slice3A_839 = vector.extract_strided_slice %add3A_799 {offsets = [128, 0], sizes = [16, 512], strides = [1, 1]} : vector<256x512xf32> to vector<16x512xf32>
      %slice3A_840 = vector.extract_strided_slice %get3A_671 {offsets = [8, 0], sizes = [1, 512], strides = [1, 1]} : vector<16x512xf32> to vector<1x512xf32>
      %mul3A_841 = vector.broadcast %slice3A_840 : vector<1x512xf32> to vector<16x512xf32>
      %mul3A_842 = arith.mulf %slice3A_839, %mul3A_841 : vector<16x512xf32>
      %add3A_843 = arith.addf %add3A_838, %mul3A_842 : vector<16x512xf32>
      %slice3A_844 = vector.extract_strided_slice %add3A_799 {offsets = [144, 0], sizes = [16, 512], strides = [1, 1]} : vector<256x512xf32> to vector<16x512xf32>
      %slice3A_845 = vector.extract_strided_slice %get3A_671 {offsets = [9, 0], sizes = [1, 512], strides = [1, 1]} : vector<16x512xf32> to vector<1x512xf32>
      %mul3A_846 = vector.broadcast %slice3A_845 : vector<1x512xf32> to vector<16x512xf32>
      %mul3A_847 = arith.mulf %slice3A_844, %mul3A_846 : vector<16x512xf32>
      %add3A_848 = arith.addf %add3A_843, %mul3A_847 : vector<16x512xf32>
      %slice3A_849 = vector.extract_strided_slice %add3A_799 {offsets = [160, 0], sizes = [16, 512], strides = [1, 1]} : vector<256x512xf32> to vector<16x512xf32>
      %slice3A_850 = vector.extract_strided_slice %get3A_671 {offsets = [10, 0], sizes = [1, 512], strides = [1, 1]} : vector<16x512xf32> to vector<1x512xf32>
      %mul3A_851 = vector.broadcast %slice3A_850 : vector<1x512xf32> to vector<16x512xf32>
      %mul3A_852 = arith.mulf %slice3A_849, %mul3A_851 : vector<16x512xf32>
      %add3A_853 = arith.addf %add3A_848, %mul3A_852 : vector<16x512xf32>
      %slice3A_854 = vector.extract_strided_slice %add3A_799 {offsets = [176, 0], sizes = [16, 512], strides = [1, 1]} : vector<256x512xf32> to vector<16x512xf32>
      %slice3A_855 = vector.extract_strided_slice %get3A_671 {offsets = [11, 0], sizes = [1, 512], strides = [1, 1]} : vector<16x512xf32> to vector<1x512xf32>
      %mul3A_856 = vector.broadcast %slice3A_855 : vector<1x512xf32> to vector<16x512xf32>
      %mul3A_857 = arith.mulf %slice3A_854, %mul3A_856 : vector<16x512xf32>
      %add3A_858 = arith.addf %add3A_853, %mul3A_857 : vector<16x512xf32>
      %slice3A_859 = vector.extract_strided_slice %add3A_799 {offsets = [192, 0], sizes = [16, 512], strides = [1, 1]} : vector<256x512xf32> to vector<16x512xf32>
      %slice3A_860 = vector.extract_strided_slice %get3A_671 {offsets = [12, 0], sizes = [1, 512], strides = [1, 1]} : vector<16x512xf32> to vector<1x512xf32>
      %mul3A_861 = vector.broadcast %slice3A_860 : vector<1x512xf32> to vector<16x512xf32>
      %mul3A_862 = arith.mulf %slice3A_859, %mul3A_861 : vector<16x512xf32>
      %add3A_863 = arith.addf %add3A_858, %mul3A_862 : vector<16x512xf32>
      %slice3A_864 = vector.extract_strided_slice %add3A_799 {offsets = [208, 0], sizes = [16, 512], strides = [1, 1]} : vector<256x512xf32> to vector<16x512xf32>
      %slice3A_865 = vector.extract_strided_slice %get3A_671 {offsets = [13, 0], sizes = [1, 512], strides = [1, 1]} : vector<16x512xf32> to vector<1x512xf32>
      %mul3A_866 = vector.broadcast %slice3A_865 : vector<1x512xf32> to vector<16x512xf32>
      %mul3A_867 = arith.mulf %slice3A_864, %mul3A_866 : vector<16x512xf32>
      %add3A_868 = arith.addf %add3A_863, %mul3A_867 : vector<16x512xf32>
      %slice3A_869 = vector.extract_strided_slice %add3A_799 {offsets = [224, 0], sizes = [16, 512], strides = [1, 1]} : vector<256x512xf32> to vector<16x512xf32>
      %slice3A_870 = vector.extract_strided_slice %get3A_671 {offsets = [14, 0], sizes = [1, 512], strides = [1, 1]} : vector<16x512xf32> to vector<1x512xf32>
      %mul3A_871 = vector.broadcast %slice3A_870 : vector<1x512xf32> to vector<16x512xf32>
      %mul3A_872 = arith.mulf %slice3A_869, %mul3A_871 : vector<16x512xf32>
      %add3A_873 = arith.addf %add3A_868, %mul3A_872 : vector<16x512xf32>
      %slice3A_874 = vector.extract_strided_slice %add3A_799 {offsets = [240, 0], sizes = [16, 512], strides = [1, 1]} : vector<256x512xf32> to vector<16x512xf32>
      %slice3A_875 = vector.extract_strided_slice %get3A_671 {offsets = [15, 0], sizes = [1, 512], strides = [1, 1]} : vector<16x512xf32> to vector<1x512xf32>
      %mul3A_876 = vector.broadcast %slice3A_875 : vector<1x512xf32> to vector<16x512xf32>
      %mul3A_877 = arith.mulf %slice3A_874, %mul3A_876 : vector<16x512xf32>
      %add3A_878 = arith.addf %add3A_873, %mul3A_877 : vector<16x512xf32>
      %swap3A_879 = arith.index_cast %add3A_666 : i32 to index
      %swap3A_880 = arith.constant 0 : index
      %swap3A_881 = arith.constant 0 : index
      %swap3A_882 = vector.load %arg7[%swap3A_879, %swap3A_880, %swap3A_881] : memref<64x16x512xf32, #tpu.memory_space<vmem>>, vector<1x16x512xf32>
      %swap3A_883 = vector.shape_cast %swap3A_882 : vector<1x16x512xf32> to vector<16x512xf32>
      %swap3A_884 = vector.shape_cast %add3A_878 : vector<16x512xf32> to vector<1x16x512xf32>
      tpu.vector_store %arg7[%swap3A_879, %swap3A_880, %swap3A_881], %swap3A_884 {strides = array<i32>} : memref<64x16x512xf32, #tpu.memory_space<vmem>>, vector<1x16x512xf32>,
      %mul3A_885 = arith.constant 8 : i32
      %mul3A_886 = arith.muli %scan3A_4, %mul3A_885 : i32
      %add3A_887 = arith.constant 4 : i32
      %add3A_888 = arith.addi %mul3A_886, %add3A_887 : i32
      %get3A_889 = arith.index_cast %add3A_888 : i32 to index
      %get3A_890 = arith.constant 0 : index
      %get3A_891 = arith.constant 0 : index
      %get3A_892 = vector.load %arg0[%get3A_889, %get3A_890, %get3A_891] : memref<64x16x512xf32, #tpu.memory_space<vmem>>, vector<1x16x512xf32>
      %get3A_893 = vector.shape_cast %get3A_892 : vector<1x16x512xf32> to vector<16x512xf32>
      %get3A_894 = arith.index_cast %add3A_888 : i32 to index
      %get3A_895 = arith.constant 0 : index
      %get3A_896 = arith.constant 0 : index
      %get3A_897 = vector.load %arg1[%get3A_894, %get3A_895, %get3A_896] : memref<64x4x512xf32, #tpu.memory_space<vmem>>, vector<1x4x512xf32>
      %get3A_898 = vector.shape_cast %get3A_897 : vector<1x4x512xf32> to vector<4x512xf32>
      %get3A_899 = arith.index_cast %add3A_888 : i32 to index
      %get3A_900 = arith.constant 0 : index
      %get3A_901 = arith.constant 0 : index
      %get3A_902 = vector.load %arg2[%get3A_899, %get3A_900, %get3A_901] : memref<64x2x512xf32, #tpu.memory_space<vmem>>, vector<1x2x512xf32>
      %get3A_903 = vector.shape_cast %get3A_902 : vector<1x2x512xf32> to vector<2x512xf32>
      %get3A_904 = arith.index_cast %add3A_888 : i32 to index
      %get3A_905 = arith.constant 0 : index
      %get3A_906 = arith.constant 0 : index
      %get3A_907 = vector.load %arg3[%get3A_904, %get3A_905, %get3A_906] : memref<64x1x512xf32, #tpu.memory_space<vmem>>, vector<1x1x512xf32>
      %get3A_908 = vector.shape_cast %get3A_907 : vector<1x1x512xf32> to vector<1x512xf32>
      %get3A_909 = arith.constant 0 : index
      %get3A_910 = arith.constant 0 : index
      %get3A_911 = vector.load %arg6[%get3A_909, %get3A_910] : memref<256x1xf32, #tpu.memory_space<vmem>>, vector<256x1xf32>
      %mul3A_912 = vector.broadcast %get3A_911 : vector<256x1xf32> to vector<256x512xf32>
      %mul3A_913 = vector.broadcast %get3A_908 : vector<1x512xf32> to vector<256x512xf32>
      %mul3A_914 = arith.mulf %mul3A_912, %mul3A_913 : vector<256x512xf32>
      %slice3A_915 = vector.extract_strided_slice %get3A_893 {offsets = [0, 0], sizes = [1, 512], strides = [1, 1]} : vector<16x512xf32> to vector<1x512xf32>
      %mul3A_916 = vector.broadcast %slice3A_915 : vector<1x512xf32> to vector<16x512xf32>
      %mul3A_917 = arith.mulf %get3A_893, %mul3A_916 : vector<16x512xf32>
      %slice3A_918 = vector.extract_strided_slice %get3A_893 {offsets = [1, 0], sizes = [1, 512], strides = [1, 1]} : vector<16x512xf32> to vector<1x512xf32>
      %mul3A_919 = vector.broadcast %slice3A_918 : vector<1x512xf32> to vector<16x512xf32>
      %mul3A_920 = arith.mulf %get3A_893, %mul3A_919 : vector<16x512xf32>
      %slice3A_921 = vector.extract_strided_slice %get3A_893 {offsets = [2, 0], sizes = [1, 512], strides = [1, 1]} : vector<16x512xf32> to vector<1x512xf32>
      %mul3A_922 = vector.broadcast %slice3A_921 : vector<1x512xf32> to vector<16x512xf32>
      %mul3A_923 = arith.mulf %get3A_893, %mul3A_922 : vector<16x512xf32>
      %slice3A_924 = vector.extract_strided_slice %get3A_893 {offsets = [3, 0], sizes = [1, 512], strides = [1, 1]} : vector<16x512xf32> to vector<1x512xf32>
      %mul3A_925 = vector.broadcast %slice3A_924 : vector<1x512xf32> to vector<16x512xf32>
      %mul3A_926 = arith.mulf %get3A_893, %mul3A_925 : vector<16x512xf32>
      %slice3A_927 = vector.extract_strided_slice %get3A_893 {offsets = [4, 0], sizes = [1, 512], strides = [1, 1]} : vector<16x512xf32> to vector<1x512xf32>
      %mul3A_928 = vector.broadcast %slice3A_927 : vector<1x512xf32> to vector<16x512xf32>
      %mul3A_929 = arith.mulf %get3A_893, %mul3A_928 : vector<16x512xf32>
      %slice3A_930 = vector.extract_strided_slice %get3A_893 {offsets = [5, 0], sizes = [1, 512], strides = [1, 1]} : vector<16x512xf32> to vector<1x512xf32>
      %mul3A_931 = vector.broadcast %slice3A_930 : vector<1x512xf32> to vector<16x512xf32>
      %mul3A_932 = arith.mulf %get3A_893, %mul3A_931 : vector<16x512xf32>
      %slice3A_933 = vector.extract_strided_slice %get3A_893 {offsets = [6, 0], sizes = [1, 512], strides = [1, 1]} : vector<16x512xf32> to vector<1x512xf32>
      %mul3A_934 = vector.broadcast %slice3A_933 : vector<1x512xf32> to vector<16x512xf32>
      %mul3A_935 = arith.mulf %get3A_893, %mul3A_934 : vector<16x512xf32>
      %slice3A_936 = vector.extract_strided_slice %get3A_893 {offsets = [7, 0], sizes = [1, 512], strides = [1, 1]} : vector<16x512xf32> to vector<1x512xf32>
      %mul3A_937 = vector.broadcast %slice3A_936 : vector<1x512xf32> to vector<16x512xf32>
      %mul3A_938 = arith.mulf %get3A_893, %mul3A_937 : vector<16x512xf32>
      %slice3A_939 = vector.extract_strided_slice %get3A_893 {offsets = [8, 0], sizes = [1, 512], strides = [1, 1]} : vector<16x512xf32> to vector<1x512xf32>
      %mul3A_940 = vector.broadcast %slice3A_939 : vector<1x512xf32> to vector<16x512xf32>
      %mul3A_941 = arith.mulf %get3A_893, %mul3A_940 : vector<16x512xf32>
      %slice3A_942 = vector.extract_strided_slice %get3A_893 {offsets = [9, 0], sizes = [1, 512], strides = [1, 1]} : vector<16x512xf32> to vector<1x512xf32>
      %mul3A_943 = vector.broadcast %slice3A_942 : vector<1x512xf32> to vector<16x512xf32>
      %mul3A_944 = arith.mulf %get3A_893, %mul3A_943 : vector<16x512xf32>
      %slice3A_945 = vector.extract_strided_slice %get3A_893 {offsets = [10, 0], sizes = [1, 512], strides = [1, 1]} : vector<16x512xf32> to vector<1x512xf32>
      %mul3A_946 = vector.broadcast %slice3A_945 : vector<1x512xf32> to vector<16x512xf32>
      %mul3A_947 = arith.mulf %get3A_893, %mul3A_946 : vector<16x512xf32>
      %slice3A_948 = vector.extract_strided_slice %get3A_893 {offsets = [11, 0], sizes = [1, 512], strides = [1, 1]} : vector<16x512xf32> to vector<1x512xf32>
      %mul3A_949 = vector.broadcast %slice3A_948 : vector<1x512xf32> to vector<16x512xf32>
      %mul3A_950 = arith.mulf %get3A_893, %mul3A_949 : vector<16x512xf32>
      %slice3A_951 = vector.extract_strided_slice %get3A_893 {offsets = [12, 0], sizes = [1, 512], strides = [1, 1]} : vector<16x512xf32> to vector<1x512xf32>
      %mul3A_952 = vector.broadcast %slice3A_951 : vector<1x512xf32> to vector<16x512xf32>
      %mul3A_953 = arith.mulf %get3A_893, %mul3A_952 : vector<16x512xf32>
      %slice3A_954 = vector.extract_strided_slice %get3A_893 {offsets = [13, 0], sizes = [1, 512], strides = [1, 1]} : vector<16x512xf32> to vector<1x512xf32>
      %mul3A_955 = vector.broadcast %slice3A_954 : vector<1x512xf32> to vector<16x512xf32>
      %mul3A_956 = arith.mulf %get3A_893, %mul3A_955 : vector<16x512xf32>
      %slice3A_957 = vector.extract_strided_slice %get3A_893 {offsets = [14, 0], sizes = [1, 512], strides = [1, 1]} : vector<16x512xf32> to vector<1x512xf32>
      %mul3A_958 = vector.broadcast %slice3A_957 : vector<1x512xf32> to vector<16x512xf32>
      %mul3A_959 = arith.mulf %get3A_893, %mul3A_958 : vector<16x512xf32>
      %slice3A_960 = vector.extract_strided_slice %get3A_893 {offsets = [15, 0], sizes = [1, 512], strides = [1, 1]} : vector<16x512xf32> to vector<1x512xf32>
      %mul3A_961 = vector.broadcast %slice3A_960 : vector<1x512xf32> to vector<16x512xf32>
      %mul3A_962 = arith.mulf %get3A_893, %mul3A_961 : vector<16x512xf32>
      %concatenate3A_963 = tpu.concatenate %mul3A_917, %mul3A_920, %mul3A_923, %mul3A_926, %mul3A_929, %mul3A_932, %mul3A_935, %mul3A_938, %mul3A_941, %mul3A_944, %mul3A_947, %mul3A_950, %mul3A_953, %mul3A_956, %mul3A_959, %mul3A_962 in 0 : vector<16x512xf32>, vector<16x512xf32>, vector<16x512xf32>, vector<16x512xf32>, vector<16x512xf32>, vector<16x512xf32>, vector<16x512xf32>, vector<16x512xf32>, vector<16x512xf32>, vector<16x512xf32>, vector<16x512xf32>, vector<16x512xf32>, vector<16x512xf32>, vector<16x512xf32>, vector<16x512xf32>, vector<16x512xf32> -> vector<256x512xf32>
      %convert_element_type3A_964 = arith.truncf %concatenate3A_963 : vector<256x512xf32> to vector<256x512xbf16>
      %get3A_965 = arith.constant 0 : index
      %get3A_966 = arith.constant 0 : index
      %get3A_967 = arith.constant 0 : index
      %get3A_968 = vector.load %arg4[%get3A_965, %get3A_966, %get3A_967] : memref<4x256x256xbf16, #tpu.memory_space<vmem>>, vector<1x256x256xbf16>
      %get3A_969 = vector.shape_cast %get3A_968 : vector<1x256x256xbf16> to vector<256x256xbf16>
      %dot_general3A_970 = arith.constant dense<0.000000e+00> : vector<256x512xf32>
      %dot_general3A_971 = tpu.matmul %get3A_969, %convert_element_type3A_964, %dot_general3A_970 {dimension_numbers = #tpu.dot_dimension_numbers<[1], [0], [0], [1], [0, 0, 1, 1], [], []>, transpose_lhs_hint = false} : vector<256x256xbf16>, vector<256x512xbf16>, vector<256x512xf32> -> vector<256x512xf32>
      %slice3A_972 = vector.extract_strided_slice %get3A_898 {offsets = [0, 0], sizes = [1, 512], strides = [1, 1]} : vector<4x512xf32> to vector<1x512xf32>
      %mul3A_973 = vector.broadcast %slice3A_972 : vector<1x512xf32> to vector<256x512xf32>
      %mul3A_974 = arith.mulf %dot_general3A_971, %mul3A_973 : vector<256x512xf32>
      %add3A_975 = arith.addf %mul3A_914, %mul3A_974 : vector<256x512xf32>
      %get3A_976 = arith.constant 1 : index
      %get3A_977 = arith.constant 0 : index
      %get3A_978 = arith.constant 0 : index
      %get3A_979 = vector.load %arg4[%get3A_976, %get3A_977, %get3A_978] : memref<4x256x256xbf16, #tpu.memory_space<vmem>>, vector<1x256x256xbf16>
      %get3A_980 = vector.shape_cast %get3A_979 : vector<1x256x256xbf16> to vector<256x256xbf16>
      %dot_general3A_981 = arith.constant dense<0.000000e+00> : vector<256x512xf32>
      %dot_general3A_982 = tpu.matmul %get3A_980, %convert_element_type3A_964, %dot_general3A_981 {dimension_numbers = #tpu.dot_dimension_numbers<[1], [0], [0], [1], [0, 0, 1, 1], [], []>, transpose_lhs_hint = false} : vector<256x256xbf16>, vector<256x512xbf16>, vector<256x512xf32> -> vector<256x512xf32>
      %slice3A_983 = vector.extract_strided_slice %get3A_898 {offsets = [1, 0], sizes = [1, 512], strides = [1, 1]} : vector<4x512xf32> to vector<1x512xf32>
      %mul3A_984 = vector.broadcast %slice3A_983 : vector<1x512xf32> to vector<256x512xf32>
      %mul3A_985 = arith.mulf %dot_general3A_982, %mul3A_984 : vector<256x512xf32>
      %add3A_986 = arith.addf %add3A_975, %mul3A_985 : vector<256x512xf32>
      %get3A_987 = arith.constant 2 : index
      %get3A_988 = arith.constant 0 : index
      %get3A_989 = arith.constant 0 : index
      %get3A_990 = vector.load %arg4[%get3A_987, %get3A_988, %get3A_989] : memref<4x256x256xbf16, #tpu.memory_space<vmem>>, vector<1x256x256xbf16>
      %get3A_991 = vector.shape_cast %get3A_990 : vector<1x256x256xbf16> to vector<256x256xbf16>
      %dot_general3A_992 = arith.constant dense<0.000000e+00> : vector<256x512xf32>
      %dot_general3A_993 = tpu.matmul %get3A_991, %convert_element_type3A_964, %dot_general3A_992 {dimension_numbers = #tpu.dot_dimension_numbers<[1], [0], [0], [1], [0, 0, 1, 1], [], []>, transpose_lhs_hint = false} : vector<256x256xbf16>, vector<256x512xbf16>, vector<256x512xf32> -> vector<256x512xf32>
      %slice3A_994 = vector.extract_strided_slice %get3A_898 {offsets = [2, 0], sizes = [1, 512], strides = [1, 1]} : vector<4x512xf32> to vector<1x512xf32>
      %mul3A_995 = vector.broadcast %slice3A_994 : vector<1x512xf32> to vector<256x512xf32>
      %mul3A_996 = arith.mulf %dot_general3A_993, %mul3A_995 : vector<256x512xf32>
      %add3A_997 = arith.addf %add3A_986, %mul3A_996 : vector<256x512xf32>
      %get3A_998 = arith.constant 3 : index
      %get3A_999 = arith.constant 0 : index
      %get3A_1000 = arith.constant 0 : index
      %get3A_1001 = vector.load %arg4[%get3A_998, %get3A_999, %get3A_1000] : memref<4x256x256xbf16, #tpu.memory_space<vmem>>, vector<1x256x256xbf16>
      %get3A_1002 = vector.shape_cast %get3A_1001 : vector<1x256x256xbf16> to vector<256x256xbf16>
      %dot_general3A_1003 = arith.constant dense<0.000000e+00> : vector<256x512xf32>
      %dot_general3A_1004 = tpu.matmul %get3A_1002, %convert_element_type3A_964, %dot_general3A_1003 {dimension_numbers = #tpu.dot_dimension_numbers<[1], [0], [0], [1], [0, 0, 1, 1], [], []>, transpose_lhs_hint = false} : vector<256x256xbf16>, vector<256x512xbf16>, vector<256x512xf32> -> vector<256x512xf32>
      %slice3A_1005 = vector.extract_strided_slice %get3A_898 {offsets = [3, 0], sizes = [1, 512], strides = [1, 1]} : vector<4x512xf32> to vector<1x512xf32>
      %mul3A_1006 = vector.broadcast %slice3A_1005 : vector<1x512xf32> to vector<256x512xf32>
      %mul3A_1007 = arith.mulf %dot_general3A_1004, %mul3A_1006 : vector<256x512xf32>
      %add3A_1008 = arith.addf %add3A_997, %mul3A_1007 : vector<256x512xf32>
      %slice3A_1009 = vector.extract_strided_slice %get3A_903 {offsets = [0, 0], sizes = [1, 512], strides = [1, 1]} : vector<2x512xf32> to vector<1x512xf32>
      %mul3A_1010 = vector.broadcast %slice3A_1009 : vector<1x512xf32> to vector<16x512xf32>
      %mul3A_1011 = arith.mulf %get3A_893, %mul3A_1010 : vector<16x512xf32>
      %slice3A_1012 = vector.extract_strided_slice %get3A_903 {offsets = [1, 0], sizes = [1, 512], strides = [1, 1]} : vector<2x512xf32> to vector<1x512xf32>
      %mul3A_1013 = vector.broadcast %slice3A_1012 : vector<1x512xf32> to vector<16x512xf32>
      %mul3A_1014 = arith.mulf %get3A_893, %mul3A_1013 : vector<16x512xf32>
      %concatenate3A_1015 = tpu.concatenate %mul3A_1011, %mul3A_1014 in 0 : vector<16x512xf32>, vector<16x512xf32> -> vector<32x512xf32>
      %get3A_1016 = arith.constant 0 : index
      %get3A_1017 = arith.constant 0 : index
      %get3A_1018 = vector.load %arg5[%get3A_1016, %get3A_1017] : memref<256x32xf32, #tpu.memory_space<vmem>>, vector<256x32xf32>
      %dot_general3A_1019 = arith.constant dense<0.000000e+00> : vector<256x512xf32>
      %dot_general3A_1020 = tpu.matmul %get3A_1018, %concatenate3A_1015, %dot_general3A_1019 {dimension_numbers = #tpu.dot_dimension_numbers<[1], [0], [0], [1], [0, 0, 1, 1], [], []>, transpose_lhs_hint = false} : vector<256x32xf32>, vector<32x512xf32>, vector<256x512xf32> -> vector<256x512xf32>
      %add3A_1021 = arith.addf %add3A_1008, %dot_general3A_1020 : vector<256x512xf32>
      %slice3A_1022 = vector.extract_strided_slice %add3A_1021 {offsets = [0, 0], sizes = [16, 512], strides = [1, 1]} : vector<256x512xf32> to vector<16x512xf32>
      %slice3A_1023 = vector.extract_strided_slice %get3A_893 {offsets = [0, 0], sizes = [1, 512], strides = [1, 1]} : vector<16x512xf32> to vector<1x512xf32>
      %mul3A_1024 = vector.broadcast %slice3A_1023 : vector<1x512xf32> to vector<16x512xf32>
      %mul3A_1025 = arith.mulf %slice3A_1022, %mul3A_1024 : vector<16x512xf32>
      %slice3A_1026 = vector.extract_strided_slice %add3A_1021 {offsets = [16, 0], sizes = [16, 512], strides = [1, 1]} : vector<256x512xf32> to vector<16x512xf32>
      %slice3A_1027 = vector.extract_strided_slice %get3A_893 {offsets = [1, 0], sizes = [1, 512], strides = [1, 1]} : vector<16x512xf32> to vector<1x512xf32>
      %mul3A_1028 = vector.broadcast %slice3A_1027 : vector<1x512xf32> to vector<16x512xf32>
      %mul3A_1029 = arith.mulf %slice3A_1026, %mul3A_1028 : vector<16x512xf32>
      %add3A_1030 = arith.addf %mul3A_1025, %mul3A_1029 : vector<16x512xf32>
      %slice3A_1031 = vector.extract_strided_slice %add3A_1021 {offsets = [32, 0], sizes = [16, 512], strides = [1, 1]} : vector<256x512xf32> to vector<16x512xf32>
      %slice3A_1032 = vector.extract_strided_slice %get3A_893 {offsets = [2, 0], sizes = [1, 512], strides = [1, 1]} : vector<16x512xf32> to vector<1x512xf32>
      %mul3A_1033 = vector.broadcast %slice3A_1032 : vector<1x512xf32> to vector<16x512xf32>
      %mul3A_1034 = arith.mulf %slice3A_1031, %mul3A_1033 : vector<16x512xf32>
      %add3A_1035 = arith.addf %add3A_1030, %mul3A_1034 : vector<16x512xf32>
      %slice3A_1036 = vector.extract_strided_slice %add3A_1021 {offsets = [48, 0], sizes = [16, 512], strides = [1, 1]} : vector<256x512xf32> to vector<16x512xf32>
      %slice3A_1037 = vector.extract_strided_slice %get3A_893 {offsets = [3, 0], sizes = [1, 512], strides = [1, 1]} : vector<16x512xf32> to vector<1x512xf32>
      %mul3A_1038 = vector.broadcast %slice3A_1037 : vector<1x512xf32> to vector<16x512xf32>
      %mul3A_1039 = arith.mulf %slice3A_1036, %mul3A_1038 : vector<16x512xf32>
      %add3A_1040 = arith.addf %add3A_1035, %mul3A_1039 : vector<16x512xf32>
      %slice3A_1041 = vector.extract_strided_slice %add3A_1021 {offsets = [64, 0], sizes = [16, 512], strides = [1, 1]} : vector<256x512xf32> to vector<16x512xf32>
      %slice3A_1042 = vector.extract_strided_slice %get3A_893 {offsets = [4, 0], sizes = [1, 512], strides = [1, 1]} : vector<16x512xf32> to vector<1x512xf32>
      %mul3A_1043 = vector.broadcast %slice3A_1042 : vector<1x512xf32> to vector<16x512xf32>
      %mul3A_1044 = arith.mulf %slice3A_1041, %mul3A_1043 : vector<16x512xf32>
      %add3A_1045 = arith.addf %add3A_1040, %mul3A_1044 : vector<16x512xf32>
      %slice3A_1046 = vector.extract_strided_slice %add3A_1021 {offsets = [80, 0], sizes = [16, 512], strides = [1, 1]} : vector<256x512xf32> to vector<16x512xf32>
      %slice3A_1047 = vector.extract_strided_slice %get3A_893 {offsets = [5, 0], sizes = [1, 512], strides = [1, 1]} : vector<16x512xf32> to vector<1x512xf32>
      %mul3A_1048 = vector.broadcast %slice3A_1047 : vector<1x512xf32> to vector<16x512xf32>
      %mul3A_1049 = arith.mulf %slice3A_1046, %mul3A_1048 : vector<16x512xf32>
      %add3A_1050 = arith.addf %add3A_1045, %mul3A_1049 : vector<16x512xf32>
      %slice3A_1051 = vector.extract_strided_slice %add3A_1021 {offsets = [96, 0], sizes = [16, 512], strides = [1, 1]} : vector<256x512xf32> to vector<16x512xf32>
      %slice3A_1052 = vector.extract_strided_slice %get3A_893 {offsets = [6, 0], sizes = [1, 512], strides = [1, 1]} : vector<16x512xf32> to vector<1x512xf32>
      %mul3A_1053 = vector.broadcast %slice3A_1052 : vector<1x512xf32> to vector<16x512xf32>
      %mul3A_1054 = arith.mulf %slice3A_1051, %mul3A_1053 : vector<16x512xf32>
      %add3A_1055 = arith.addf %add3A_1050, %mul3A_1054 : vector<16x512xf32>
      %slice3A_1056 = vector.extract_strided_slice %add3A_1021 {offsets = [112, 0], sizes = [16, 512], strides = [1, 1]} : vector<256x512xf32> to vector<16x512xf32>
      %slice3A_1057 = vector.extract_strided_slice %get3A_893 {offsets = [7, 0], sizes = [1, 512], strides = [1, 1]} : vector<16x512xf32> to vector<1x512xf32>
      %mul3A_1058 = vector.broadcast %slice3A_1057 : vector<1x512xf32> to vector<16x512xf32>
      %mul3A_1059 = arith.mulf %slice3A_1056, %mul3A_1058 : vector<16x512xf32>
      %add3A_1060 = arith.addf %add3A_1055, %mul3A_1059 : vector<16x512xf32>
      %slice3A_1061 = vector.extract_strided_slice %add3A_1021 {offsets = [128, 0], sizes = [16, 512], strides = [1, 1]} : vector<256x512xf32> to vector<16x512xf32>
      %slice3A_1062 = vector.extract_strided_slice %get3A_893 {offsets = [8, 0], sizes = [1, 512], strides = [1, 1]} : vector<16x512xf32> to vector<1x512xf32>
      %mul3A_1063 = vector.broadcast %slice3A_1062 : vector<1x512xf32> to vector<16x512xf32>
      %mul3A_1064 = arith.mulf %slice3A_1061, %mul3A_1063 : vector<16x512xf32>
      %add3A_1065 = arith.addf %add3A_1060, %mul3A_1064 : vector<16x512xf32>
      %slice3A_1066 = vector.extract_strided_slice %add3A_1021 {offsets = [144, 0], sizes = [16, 512], strides = [1, 1]} : vector<256x512xf32> to vector<16x512xf32>
      %slice3A_1067 = vector.extract_strided_slice %get3A_893 {offsets = [9, 0], sizes = [1, 512], strides = [1, 1]} : vector<16x512xf32> to vector<1x512xf32>
      %mul3A_1068 = vector.broadcast %slice3A_1067 : vector<1x512xf32> to vector<16x512xf32>
      %mul3A_1069 = arith.mulf %slice3A_1066, %mul3A_1068 : vector<16x512xf32>
      %add3A_1070 = arith.addf %add3A_1065, %mul3A_1069 : vector<16x512xf32>
      %slice3A_1071 = vector.extract_strided_slice %add3A_1021 {offsets = [160, 0], sizes = [16, 512], strides = [1, 1]} : vector<256x512xf32> to vector<16x512xf32>
      %slice3A_1072 = vector.extract_strided_slice %get3A_893 {offsets = [10, 0], sizes = [1, 512], strides = [1, 1]} : vector<16x512xf32> to vector<1x512xf32>
      %mul3A_1073 = vector.broadcast %slice3A_1072 : vector<1x512xf32> to vector<16x512xf32>
      %mul3A_1074 = arith.mulf %slice3A_1071, %mul3A_1073 : vector<16x512xf32>
      %add3A_1075 = arith.addf %add3A_1070, %mul3A_1074 : vector<16x512xf32>
      %slice3A_1076 = vector.extract_strided_slice %add3A_1021 {offsets = [176, 0], sizes = [16, 512], strides = [1, 1]} : vector<256x512xf32> to vector<16x512xf32>
      %slice3A_1077 = vector.extract_strided_slice %get3A_893 {offsets = [11, 0], sizes = [1, 512], strides = [1, 1]} : vector<16x512xf32> to vector<1x512xf32>
      %mul3A_1078 = vector.broadcast %slice3A_1077 : vector<1x512xf32> to vector<16x512xf32>
      %mul3A_1079 = arith.mulf %slice3A_1076, %mul3A_1078 : vector<16x512xf32>
      %add3A_1080 = arith.addf %add3A_1075, %mul3A_1079 : vector<16x512xf32>
      %slice3A_1081 = vector.extract_strided_slice %add3A_1021 {offsets = [192, 0], sizes = [16, 512], strides = [1, 1]} : vector<256x512xf32> to vector<16x512xf32>
      %slice3A_1082 = vector.extract_strided_slice %get3A_893 {offsets = [12, 0], sizes = [1, 512], strides = [1, 1]} : vector<16x512xf32> to vector<1x512xf32>
      %mul3A_1083 = vector.broadcast %slice3A_1082 : vector<1x512xf32> to vector<16x512xf32>
      %mul3A_1084 = arith.mulf %slice3A_1081, %mul3A_1083 : vector<16x512xf32>
      %add3A_1085 = arith.addf %add3A_1080, %mul3A_1084 : vector<16x512xf32>
      %slice3A_1086 = vector.extract_strided_slice %add3A_1021 {offsets = [208, 0], sizes = [16, 512], strides = [1, 1]} : vector<256x512xf32> to vector<16x512xf32>
      %slice3A_1087 = vector.extract_strided_slice %get3A_893 {offsets = [13, 0], sizes = [1, 512], strides = [1, 1]} : vector<16x512xf32> to vector<1x512xf32>
      %mul3A_1088 = vector.broadcast %slice3A_1087 : vector<1x512xf32> to vector<16x512xf32>
      %mul3A_1089 = arith.mulf %slice3A_1086, %mul3A_1088 : vector<16x512xf32>
      %add3A_1090 = arith.addf %add3A_1085, %mul3A_1089 : vector<16x512xf32>
      %slice3A_1091 = vector.extract_strided_slice %add3A_1021 {offsets = [224, 0], sizes = [16, 512], strides = [1, 1]} : vector<256x512xf32> to vector<16x512xf32>
      %slice3A_1092 = vector.extract_strided_slice %get3A_893 {offsets = [14, 0], sizes = [1, 512], strides = [1, 1]} : vector<16x512xf32> to vector<1x512xf32>
      %mul3A_1093 = vector.broadcast %slice3A_1092 : vector<1x512xf32> to vector<16x512xf32>
      %mul3A_1094 = arith.mulf %slice3A_1091, %mul3A_1093 : vector<16x512xf32>
      %add3A_1095 = arith.addf %add3A_1090, %mul3A_1094 : vector<16x512xf32>
      %slice3A_1096 = vector.extract_strided_slice %add3A_1021 {offsets = [240, 0], sizes = [16, 512], strides = [1, 1]} : vector<256x512xf32> to vector<16x512xf32>
      %slice3A_1097 = vector.extract_strided_slice %get3A_893 {offsets = [15, 0], sizes = [1, 512], strides = [1, 1]} : vector<16x512xf32> to vector<1x512xf32>
      %mul3A_1098 = vector.broadcast %slice3A_1097 : vector<1x512xf32> to vector<16x512xf32>
      %mul3A_1099 = arith.mulf %slice3A_1096, %mul3A_1098 : vector<16x512xf32>
      %add3A_1100 = arith.addf %add3A_1095, %mul3A_1099 : vector<16x512xf32>
      %swap3A_1101 = arith.index_cast %add3A_888 : i32 to index
      %swap3A_1102 = arith.constant 0 : index
      %swap3A_1103 = arith.constant 0 : index
      %swap3A_1104 = vector.load %arg7[%swap3A_1101, %swap3A_1102, %swap3A_1103] : memref<64x16x512xf32, #tpu.memory_space<vmem>>, vector<1x16x512xf32>
      %swap3A_1105 = vector.shape_cast %swap3A_1104 : vector<1x16x512xf32> to vector<16x512xf32>
      %swap3A_1106 = vector.shape_cast %add3A_1100 : vector<16x512xf32> to vector<1x16x512xf32>
      tpu.vector_store %arg7[%swap3A_1101, %swap3A_1102, %swap3A_1103], %swap3A_1106 {strides = array<i32>} : memref<64x16x512xf32, #tpu.memory_space<vmem>>, vector<1x16x512xf32>,
      %mul3A_1107 = arith.constant 8 : i32
      %mul3A_1108 = arith.muli %scan3A_4, %mul3A_1107 : i32
      %add3A_1109 = arith.constant 5 : i32
      %add3A_1110 = arith.addi %mul3A_1108, %add3A_1109 : i32
      %get3A_1111 = arith.index_cast %add3A_1110 : i32 to index
      %get3A_1112 = arith.constant 0 : index
      %get3A_1113 = arith.constant 0 : index
      %get3A_1114 = vector.load %arg0[%get3A_1111, %get3A_1112, %get3A_1113] : memref<64x16x512xf32, #tpu.memory_space<vmem>>, vector<1x16x512xf32>
      %get3A_1115 = vector.shape_cast %get3A_1114 : vector<1x16x512xf32> to vector<16x512xf32>
      %get3A_1116 = arith.index_cast %add3A_1110 : i32 to index
      %get3A_1117 = arith.constant 0 : index
      %get3A_1118 = arith.constant 0 : index
      %get3A_1119 = vector.load %arg1[%get3A_1116, %get3A_1117, %get3A_1118] : memref<64x4x512xf32, #tpu.memory_space<vmem>>, vector<1x4x512xf32>
      %get3A_1120 = vector.shape_cast %get3A_1119 : vector<1x4x512xf32> to vector<4x512xf32>
      %get3A_1121 = arith.index_cast %add3A_1110 : i32 to index
      %get3A_1122 = arith.constant 0 : index
      %get3A_1123 = arith.constant 0 : index
      %get3A_1124 = vector.load %arg2[%get3A_1121, %get3A_1122, %get3A_1123] : memref<64x2x512xf32, #tpu.memory_space<vmem>>, vector<1x2x512xf32>
      %get3A_1125 = vector.shape_cast %get3A_1124 : vector<1x2x512xf32> to vector<2x512xf32>
      %get3A_1126 = arith.index_cast %add3A_1110 : i32 to index
      %get3A_1127 = arith.constant 0 : index
      %get3A_1128 = arith.constant 0 : index
      %get3A_1129 = vector.load %arg3[%get3A_1126, %get3A_1127, %get3A_1128] : memref<64x1x512xf32, #tpu.memory_space<vmem>>, vector<1x1x512xf32>
      %get3A_1130 = vector.shape_cast %get3A_1129 : vector<1x1x512xf32> to vector<1x512xf32>
      %get3A_1131 = arith.constant 0 : index
      %get3A_1132 = arith.constant 0 : index
      %get3A_1133 = vector.load %arg6[%get3A_1131, %get3A_1132] : memref<256x1xf32, #tpu.memory_space<vmem>>, vector<256x1xf32>
      %mul3A_1134 = vector.broadcast %get3A_1133 : vector<256x1xf32> to vector<256x512xf32>
      %mul3A_1135 = vector.broadcast %get3A_1130 : vector<1x512xf32> to vector<256x512xf32>
      %mul3A_1136 = arith.mulf %mul3A_1134, %mul3A_1135 : vector<256x512xf32>
      %slice3A_1137 = vector.extract_strided_slice %get3A_1115 {offsets = [0, 0], sizes = [1, 512], strides = [1, 1]} : vector<16x512xf32> to vector<1x512xf32>
      %mul3A_1138 = vector.broadcast %slice3A_1137 : vector<1x512xf32> to vector<16x512xf32>
      %mul3A_1139 = arith.mulf %get3A_1115, %mul3A_1138 : vector<16x512xf32>
      %slice3A_1140 = vector.extract_strided_slice %get3A_1115 {offsets = [1, 0], sizes = [1, 512], strides = [1, 1]} : vector<16x512xf32> to vector<1x512xf32>
      %mul3A_1141 = vector.broadcast %slice3A_1140 : vector<1x512xf32> to vector<16x512xf32>
      %mul3A_1142 = arith.mulf %get3A_1115, %mul3A_1141 : vector<16x512xf32>
      %slice3A_1143 = vector.extract_strided_slice %get3A_1115 {offsets = [2, 0], sizes = [1, 512], strides = [1, 1]} : vector<16x512xf32> to vector<1x512xf32>
      %mul3A_1144 = vector.broadcast %slice3A_1143 : vector<1x512xf32> to vector<16x512xf32>
      %mul3A_1145 = arith.mulf %get3A_1115, %mul3A_1144 : vector<16x512xf32>
      %slice3A_1146 = vector.extract_strided_slice %get3A_1115 {offsets = [3, 0], sizes = [1, 512], strides = [1, 1]} : vector<16x512xf32> to vector<1x512xf32>
      %mul3A_1147 = vector.broadcast %slice3A_1146 : vector<1x512xf32> to vector<16x512xf32>
      %mul3A_1148 = arith.mulf %get3A_1115, %mul3A_1147 : vector<16x512xf32>
      %slice3A_1149 = vector.extract_strided_slice %get3A_1115 {offsets = [4, 0], sizes = [1, 512], strides = [1, 1]} : vector<16x512xf32> to vector<1x512xf32>
      %mul3A_1150 = vector.broadcast %slice3A_1149 : vector<1x512xf32> to vector<16x512xf32>
      %mul3A_1151 = arith.mulf %get3A_1115, %mul3A_1150 : vector<16x512xf32>
      %slice3A_1152 = vector.extract_strided_slice %get3A_1115 {offsets = [5, 0], sizes = [1, 512], strides = [1, 1]} : vector<16x512xf32> to vector<1x512xf32>
      %mul3A_1153 = vector.broadcast %slice3A_1152 : vector<1x512xf32> to vector<16x512xf32>
      %mul3A_1154 = arith.mulf %get3A_1115, %mul3A_1153 : vector<16x512xf32>
      %slice3A_1155 = vector.extract_strided_slice %get3A_1115 {offsets = [6, 0], sizes = [1, 512], strides = [1, 1]} : vector<16x512xf32> to vector<1x512xf32>
      %mul3A_1156 = vector.broadcast %slice3A_1155 : vector<1x512xf32> to vector<16x512xf32>
      %mul3A_1157 = arith.mulf %get3A_1115, %mul3A_1156 : vector<16x512xf32>
      %slice3A_1158 = vector.extract_strided_slice %get3A_1115 {offsets = [7, 0], sizes = [1, 512], strides = [1, 1]} : vector<16x512xf32> to vector<1x512xf32>
      %mul3A_1159 = vector.broadcast %slice3A_1158 : vector<1x512xf32> to vector<16x512xf32>
      %mul3A_1160 = arith.mulf %get3A_1115, %mul3A_1159 : vector<16x512xf32>
      %slice3A_1161 = vector.extract_strided_slice %get3A_1115 {offsets = [8, 0], sizes = [1, 512], strides = [1, 1]} : vector<16x512xf32> to vector<1x512xf32>
      %mul3A_1162 = vector.broadcast %slice3A_1161 : vector<1x512xf32> to vector<16x512xf32>
      %mul3A_1163 = arith.mulf %get3A_1115, %mul3A_1162 : vector<16x512xf32>
      %slice3A_1164 = vector.extract_strided_slice %get3A_1115 {offsets = [9, 0], sizes = [1, 512], strides = [1, 1]} : vector<16x512xf32> to vector<1x512xf32>
      %mul3A_1165 = vector.broadcast %slice3A_1164 : vector<1x512xf32> to vector<16x512xf32>
      %mul3A_1166 = arith.mulf %get3A_1115, %mul3A_1165 : vector<16x512xf32>
      %slice3A_1167 = vector.extract_strided_slice %get3A_1115 {offsets = [10, 0], sizes = [1, 512], strides = [1, 1]} : vector<16x512xf32> to vector<1x512xf32>
      %mul3A_1168 = vector.broadcast %slice3A_1167 : vector<1x512xf32> to vector<16x512xf32>
      %mul3A_1169 = arith.mulf %get3A_1115, %mul3A_1168 : vector<16x512xf32>
      %slice3A_1170 = vector.extract_strided_slice %get3A_1115 {offsets = [11, 0], sizes = [1, 512], strides = [1, 1]} : vector<16x512xf32> to vector<1x512xf32>
      %mul3A_1171 = vector.broadcast %slice3A_1170 : vector<1x512xf32> to vector<16x512xf32>
      %mul3A_1172 = arith.mulf %get3A_1115, %mul3A_1171 : vector<16x512xf32>
      %slice3A_1173 = vector.extract_strided_slice %get3A_1115 {offsets = [12, 0], sizes = [1, 512], strides = [1, 1]} : vector<16x512xf32> to vector<1x512xf32>
      %mul3A_1174 = vector.broadcast %slice3A_1173 : vector<1x512xf32> to vector<16x512xf32>
      %mul3A_1175 = arith.mulf %get3A_1115, %mul3A_1174 : vector<16x512xf32>
      %slice3A_1176 = vector.extract_strided_slice %get3A_1115 {offsets = [13, 0], sizes = [1, 512], strides = [1, 1]} : vector<16x512xf32> to vector<1x512xf32>
      %mul3A_1177 = vector.broadcast %slice3A_1176 : vector<1x512xf32> to vector<16x512xf32>
      %mul3A_1178 = arith.mulf %get3A_1115, %mul3A_1177 : vector<16x512xf32>
      %slice3A_1179 = vector.extract_strided_slice %get3A_1115 {offsets = [14, 0], sizes = [1, 512], strides = [1, 1]} : vector<16x512xf32> to vector<1x512xf32>
      %mul3A_1180 = vector.broadcast %slice3A_1179 : vector<1x512xf32> to vector<16x512xf32>
      %mul3A_1181 = arith.mulf %get3A_1115, %mul3A_1180 : vector<16x512xf32>
      %slice3A_1182 = vector.extract_strided_slice %get3A_1115 {offsets = [15, 0], sizes = [1, 512], strides = [1, 1]} : vector<16x512xf32> to vector<1x512xf32>
      %mul3A_1183 = vector.broadcast %slice3A_1182 : vector<1x512xf32> to vector<16x512xf32>
      %mul3A_1184 = arith.mulf %get3A_1115, %mul3A_1183 : vector<16x512xf32>
      %concatenate3A_1185 = tpu.concatenate %mul3A_1139, %mul3A_1142, %mul3A_1145, %mul3A_1148, %mul3A_1151, %mul3A_1154, %mul3A_1157, %mul3A_1160, %mul3A_1163, %mul3A_1166, %mul3A_1169, %mul3A_1172, %mul3A_1175, %mul3A_1178, %mul3A_1181, %mul3A_1184 in 0 : vector<16x512xf32>, vector<16x512xf32>, vector<16x512xf32>, vector<16x512xf32>, vector<16x512xf32>, vector<16x512xf32>, vector<16x512xf32>, vector<16x512xf32>, vector<16x512xf32>, vector<16x512xf32>, vector<16x512xf32>, vector<16x512xf32>, vector<16x512xf32>, vector<16x512xf32>, vector<16x512xf32>, vector<16x512xf32> -> vector<256x512xf32>
      %convert_element_type3A_1186 = arith.truncf %concatenate3A_1185 : vector<256x512xf32> to vector<256x512xbf16>
      %get3A_1187 = arith.constant 0 : index
      %get3A_1188 = arith.constant 0 : index
      %get3A_1189 = arith.constant 0 : index
      %get3A_1190 = vector.load %arg4[%get3A_1187, %get3A_1188, %get3A_1189] : memref<4x256x256xbf16, #tpu.memory_space<vmem>>, vector<1x256x256xbf16>
      %get3A_1191 = vector.shape_cast %get3A_1190 : vector<1x256x256xbf16> to vector<256x256xbf16>
      %dot_general3A_1192 = arith.constant dense<0.000000e+00> : vector<256x512xf32>
      %dot_general3A_1193 = tpu.matmul %get3A_1191, %convert_element_type3A_1186, %dot_general3A_1192 {dimension_numbers = #tpu.dot_dimension_numbers<[1], [0], [0], [1], [0, 0, 1, 1], [], []>, transpose_lhs_hint = false} : vector<256x256xbf16>, vector<256x512xbf16>, vector<256x512xf32> -> vector<256x512xf32>
      %slice3A_1194 = vector.extract_strided_slice %get3A_1120 {offsets = [0, 0], sizes = [1, 512], strides = [1, 1]} : vector<4x512xf32> to vector<1x512xf32>
      %mul3A_1195 = vector.broadcast %slice3A_1194 : vector<1x512xf32> to vector<256x512xf32>
      %mul3A_1196 = arith.mulf %dot_general3A_1193, %mul3A_1195 : vector<256x512xf32>
      %add3A_1197 = arith.addf %mul3A_1136, %mul3A_1196 : vector<256x512xf32>
      %get3A_1198 = arith.constant 1 : index
      %get3A_1199 = arith.constant 0 : index
      %get3A_1200 = arith.constant 0 : index
      %get3A_1201 = vector.load %arg4[%get3A_1198, %get3A_1199, %get3A_1200] : memref<4x256x256xbf16, #tpu.memory_space<vmem>>, vector<1x256x256xbf16>
      %get3A_1202 = vector.shape_cast %get3A_1201 : vector<1x256x256xbf16> to vector<256x256xbf16>
      %dot_general3A_1203 = arith.constant dense<0.000000e+00> : vector<256x512xf32>
      %dot_general3A_1204 = tpu.matmul %get3A_1202, %convert_element_type3A_1186, %dot_general3A_1203 {dimension_numbers = #tpu.dot_dimension_numbers<[1], [0], [0], [1], [0, 0, 1, 1], [], []>, transpose_lhs_hint = false} : vector<256x256xbf16>, vector<256x512xbf16>, vector<256x512xf32> -> vector<256x512xf32>
      %slice3A_1205 = vector.extract_strided_slice %get3A_1120 {offsets = [1, 0], sizes = [1, 512], strides = [1, 1]} : vector<4x512xf32> to vector<1x512xf32>
      %mul3A_1206 = vector.broadcast %slice3A_1205 : vector<1x512xf32> to vector<256x512xf32>
      %mul3A_1207 = arith.mulf %dot_general3A_1204, %mul3A_1206 : vector<256x512xf32>
      %add3A_1208 = arith.addf %add3A_1197, %mul3A_1207 : vector<256x512xf32>
      %get3A_1209 = arith.constant 2 : index
      %get3A_1210 = arith.constant 0 : index
      %get3A_1211 = arith.constant 0 : index
      %get3A_1212 = vector.load %arg4[%get3A_1209, %get3A_1210, %get3A_1211] : memref<4x256x256xbf16, #tpu.memory_space<vmem>>, vector<1x256x256xbf16>
      %get3A_1213 = vector.shape_cast %get3A_1212 : vector<1x256x256xbf16> to vector<256x256xbf16>
      %dot_general3A_1214 = arith.constant dense<0.000000e+00> : vector<256x512xf32>
      %dot_general3A_1215 = tpu.matmul %get3A_1213, %convert_element_type3A_1186, %dot_general3A_1214 {dimension_numbers = #tpu.dot_dimension_numbers<[1], [0], [0], [1], [0, 0, 1, 1], [], []>, transpose_lhs_hint = false} : vector<256x256xbf16>, vector<256x512xbf16>, vector<256x512xf32> -> vector<256x512xf32>
      %slice3A_1216 = vector.extract_strided_slice %get3A_1120 {offsets = [2, 0], sizes = [1, 512], strides = [1, 1]} : vector<4x512xf32> to vector<1x512xf32>
      %mul3A_1217 = vector.broadcast %slice3A_1216 : vector<1x512xf32> to vector<256x512xf32>
      %mul3A_1218 = arith.mulf %dot_general3A_1215, %mul3A_1217 : vector<256x512xf32>
      %add3A_1219 = arith.addf %add3A_1208, %mul3A_1218 : vector<256x512xf32>
      %get3A_1220 = arith.constant 3 : index
      %get3A_1221 = arith.constant 0 : index
      %get3A_1222 = arith.constant 0 : index
      %get3A_1223 = vector.load %arg4[%get3A_1220, %get3A_1221, %get3A_1222] : memref<4x256x256xbf16, #tpu.memory_space<vmem>>, vector<1x256x256xbf16>
      %get3A_1224 = vector.shape_cast %get3A_1223 : vector<1x256x256xbf16> to vector<256x256xbf16>
      %dot_general3A_1225 = arith.constant dense<0.000000e+00> : vector<256x512xf32>
      %dot_general3A_1226 = tpu.matmul %get3A_1224, %convert_element_type3A_1186, %dot_general3A_1225 {dimension_numbers = #tpu.dot_dimension_numbers<[1], [0], [0], [1], [0, 0, 1, 1], [], []>, transpose_lhs_hint = false} : vector<256x256xbf16>, vector<256x512xbf16>, vector<256x512xf32> -> vector<256x512xf32>
      %slice3A_1227 = vector.extract_strided_slice %get3A_1120 {offsets = [3, 0], sizes = [1, 512], strides = [1, 1]} : vector<4x512xf32> to vector<1x512xf32>
      %mul3A_1228 = vector.broadcast %slice3A_1227 : vector<1x512xf32> to vector<256x512xf32>
      %mul3A_1229 = arith.mulf %dot_general3A_1226, %mul3A_1228 : vector<256x512xf32>
      %add3A_1230 = arith.addf %add3A_1219, %mul3A_1229 : vector<256x512xf32>
      %slice3A_1231 = vector.extract_strided_slice %get3A_1125 {offsets = [0, 0], sizes = [1, 512], strides = [1, 1]} : vector<2x512xf32> to vector<1x512xf32>
      %mul3A_1232 = vector.broadcast %slice3A_1231 : vector<1x512xf32> to vector<16x512xf32>
      %mul3A_1233 = arith.mulf %get3A_1115, %mul3A_1232 : vector<16x512xf32>
      %slice3A_1234 = vector.extract_strided_slice %get3A_1125 {offsets = [1, 0], sizes = [1, 512], strides = [1, 1]} : vector<2x512xf32> to vector<1x512xf32>
      %mul3A_1235 = vector.broadcast %slice3A_1234 : vector<1x512xf32> to vector<16x512xf32>
      %mul3A_1236 = arith.mulf %get3A_1115, %mul3A_1235 : vector<16x512xf32>
      %concatenate3A_1237 = tpu.concatenate %mul3A_1233, %mul3A_1236 in 0 : vector<16x512xf32>, vector<16x512xf32> -> vector<32x512xf32>
      %get3A_1238 = arith.constant 0 : index
      %get3A_1239 = arith.constant 0 : index
      %get3A_1240 = vector.load %arg5[%get3A_1238, %get3A_1239] : memref<256x32xf32, #tpu.memory_space<vmem>>, vector<256x32xf32>
      %dot_general3A_1241 = arith.constant dense<0.000000e+00> : vector<256x512xf32>
      %dot_general3A_1242 = tpu.matmul %get3A_1240, %concatenate3A_1237, %dot_general3A_1241 {dimension_numbers = #tpu.dot_dimension_numbers<[1], [0], [0], [1], [0, 0, 1, 1], [], []>, transpose_lhs_hint = false} : vector<256x32xf32>, vector<32x512xf32>, vector<256x512xf32> -> vector<256x512xf32>
      %add3A_1243 = arith.addf %add3A_1230, %dot_general3A_1242 : vector<256x512xf32>
      %slice3A_1244 = vector.extract_strided_slice %add3A_1243 {offsets = [0, 0], sizes = [16, 512], strides = [1, 1]} : vector<256x512xf32> to vector<16x512xf32>
      %slice3A_1245 = vector.extract_strided_slice %get3A_1115 {offsets = [0, 0], sizes = [1, 512], strides = [1, 1]} : vector<16x512xf32> to vector<1x512xf32>
      %mul3A_1246 = vector.broadcast %slice3A_1245 : vector<1x512xf32> to vector<16x512xf32>
      %mul3A_1247 = arith.mulf %slice3A_1244, %mul3A_1246 : vector<16x512xf32>
      %slice3A_1248 = vector.extract_strided_slice %add3A_1243 {offsets = [16, 0], sizes = [16, 512], strides = [1, 1]} : vector<256x512xf32> to vector<16x512xf32>
      %slice3A_1249 = vector.extract_strided_slice %get3A_1115 {offsets = [1, 0], sizes = [1, 512], strides = [1, 1]} : vector<16x512xf32> to vector<1x512xf32>
      %mul3A_1250 = vector.broadcast %slice3A_1249 : vector<1x512xf32> to vector<16x512xf32>
      %mul3A_1251 = arith.mulf %slice3A_1248, %mul3A_1250 : vector<16x512xf32>
      %add3A_1252 = arith.addf %mul3A_1247, %mul3A_1251 : vector<16x512xf32>
      %slice3A_1253 = vector.extract_strided_slice %add3A_1243 {offsets = [32, 0], sizes = [16, 512], strides = [1, 1]} : vector<256x512xf32> to vector<16x512xf32>
      %slice3A_1254 = vector.extract_strided_slice %get3A_1115 {offsets = [2, 0], sizes = [1, 512], strides = [1, 1]} : vector<16x512xf32> to vector<1x512xf32>
      %mul3A_1255 = vector.broadcast %slice3A_1254 : vector<1x512xf32> to vector<16x512xf32>
      %mul3A_1256 = arith.mulf %slice3A_1253, %mul3A_1255 : vector<16x512xf32>
      %add3A_1257 = arith.addf %add3A_1252, %mul3A_1256 : vector<16x512xf32>
      %slice3A_1258 = vector.extract_strided_slice %add3A_1243 {offsets = [48, 0], sizes = [16, 512], strides = [1, 1]} : vector<256x512xf32> to vector<16x512xf32>
      %slice3A_1259 = vector.extract_strided_slice %get3A_1115 {offsets = [3, 0], sizes = [1, 512], strides = [1, 1]} : vector<16x512xf32> to vector<1x512xf32>
      %mul3A_1260 = vector.broadcast %slice3A_1259 : vector<1x512xf32> to vector<16x512xf32>
      %mul3A_1261 = arith.mulf %slice3A_1258, %mul3A_1260 : vector<16x512xf32>
      %add3A_1262 = arith.addf %add3A_1257, %mul3A_1261 : vector<16x512xf32>
      %slice3A_1263 = vector.extract_strided_slice %add3A_1243 {offsets = [64, 0], sizes = [16, 512], strides = [1, 1]} : vector<256x512xf32> to vector<16x512xf32>
      %slice3A_1264 = vector.extract_strided_slice %get3A_1115 {offsets = [4, 0], sizes = [1, 512], strides = [1, 1]} : vector<16x512xf32> to vector<1x512xf32>
      %mul3A_1265 = vector.broadcast %slice3A_1264 : vector<1x512xf32> to vector<16x512xf32>
      %mul3A_1266 = arith.mulf %slice3A_1263, %mul3A_1265 : vector<16x512xf32>
      %add3A_1267 = arith.addf %add3A_1262, %mul3A_1266 : vector<16x512xf32>
      %slice3A_1268 = vector.extract_strided_slice %add3A_1243 {offsets = [80, 0], sizes = [16, 512], strides = [1, 1]} : vector<256x512xf32> to vector<16x512xf32>
      %slice3A_1269 = vector.extract_strided_slice %get3A_1115 {offsets = [5, 0], sizes = [1, 512], strides = [1, 1]} : vector<16x512xf32> to vector<1x512xf32>
      %mul3A_1270 = vector.broadcast %slice3A_1269 : vector<1x512xf32> to vector<16x512xf32>
      %mul3A_1271 = arith.mulf %slice3A_1268, %mul3A_1270 : vector<16x512xf32>
      %add3A_1272 = arith.addf %add3A_1267, %mul3A_1271 : vector<16x512xf32>
      %slice3A_1273 = vector.extract_strided_slice %add3A_1243 {offsets = [96, 0], sizes = [16, 512], strides = [1, 1]} : vector<256x512xf32> to vector<16x512xf32>
      %slice3A_1274 = vector.extract_strided_slice %get3A_1115 {offsets = [6, 0], sizes = [1, 512], strides = [1, 1]} : vector<16x512xf32> to vector<1x512xf32>
      %mul3A_1275 = vector.broadcast %slice3A_1274 : vector<1x512xf32> to vector<16x512xf32>
      %mul3A_1276 = arith.mulf %slice3A_1273, %mul3A_1275 : vector<16x512xf32>
      %add3A_1277 = arith.addf %add3A_1272, %mul3A_1276 : vector<16x512xf32>
      %slice3A_1278 = vector.extract_strided_slice %add3A_1243 {offsets = [112, 0], sizes = [16, 512], strides = [1, 1]} : vector<256x512xf32> to vector<16x512xf32>
      %slice3A_1279 = vector.extract_strided_slice %get3A_1115 {offsets = [7, 0], sizes = [1, 512], strides = [1, 1]} : vector<16x512xf32> to vector<1x512xf32>
      %mul3A_1280 = vector.broadcast %slice3A_1279 : vector<1x512xf32> to vector<16x512xf32>
      %mul3A_1281 = arith.mulf %slice3A_1278, %mul3A_1280 : vector<16x512xf32>
      %add3A_1282 = arith.addf %add3A_1277, %mul3A_1281 : vector<16x512xf32>
      %slice3A_1283 = vector.extract_strided_slice %add3A_1243 {offsets = [128, 0], sizes = [16, 512], strides = [1, 1]} : vector<256x512xf32> to vector<16x512xf32>
      %slice3A_1284 = vector.extract_strided_slice %get3A_1115 {offsets = [8, 0], sizes = [1, 512], strides = [1, 1]} : vector<16x512xf32> to vector<1x512xf32>
      %mul3A_1285 = vector.broadcast %slice3A_1284 : vector<1x512xf32> to vector<16x512xf32>
      %mul3A_1286 = arith.mulf %slice3A_1283, %mul3A_1285 : vector<16x512xf32>
      %add3A_1287 = arith.addf %add3A_1282, %mul3A_1286 : vector<16x512xf32>
      %slice3A_1288 = vector.extract_strided_slice %add3A_1243 {offsets = [144, 0], sizes = [16, 512], strides = [1, 1]} : vector<256x512xf32> to vector<16x512xf32>
      %slice3A_1289 = vector.extract_strided_slice %get3A_1115 {offsets = [9, 0], sizes = [1, 512], strides = [1, 1]} : vector<16x512xf32> to vector<1x512xf32>
      %mul3A_1290 = vector.broadcast %slice3A_1289 : vector<1x512xf32> to vector<16x512xf32>
      %mul3A_1291 = arith.mulf %slice3A_1288, %mul3A_1290 : vector<16x512xf32>
      %add3A_1292 = arith.addf %add3A_1287, %mul3A_1291 : vector<16x512xf32>
      %slice3A_1293 = vector.extract_strided_slice %add3A_1243 {offsets = [160, 0], sizes = [16, 512], strides = [1, 1]} : vector<256x512xf32> to vector<16x512xf32>
      %slice3A_1294 = vector.extract_strided_slice %get3A_1115 {offsets = [10, 0], sizes = [1, 512], strides = [1, 1]} : vector<16x512xf32> to vector<1x512xf32>
      %mul3A_1295 = vector.broadcast %slice3A_1294 : vector<1x512xf32> to vector<16x512xf32>
      %mul3A_1296 = arith.mulf %slice3A_1293, %mul3A_1295 : vector<16x512xf32>
      %add3A_1297 = arith.addf %add3A_1292, %mul3A_1296 : vector<16x512xf32>
      %slice3A_1298 = vector.extract_strided_slice %add3A_1243 {offsets = [176, 0], sizes = [16, 512], strides = [1, 1]} : vector<256x512xf32> to vector<16x512xf32>
      %slice3A_1299 = vector.extract_strided_slice %get3A_1115 {offsets = [11, 0], sizes = [1, 512], strides = [1, 1]} : vector<16x512xf32> to vector<1x512xf32>
      %mul3A_1300 = vector.broadcast %slice3A_1299 : vector<1x512xf32> to vector<16x512xf32>
      %mul3A_1301 = arith.mulf %slice3A_1298, %mul3A_1300 : vector<16x512xf32>
      %add3A_1302 = arith.addf %add3A_1297, %mul3A_1301 : vector<16x512xf32>
      %slice3A_1303 = vector.extract_strided_slice %add3A_1243 {offsets = [192, 0], sizes = [16, 512], strides = [1, 1]} : vector<256x512xf32> to vector<16x512xf32>
      %slice3A_1304 = vector.extract_strided_slice %get3A_1115 {offsets = [12, 0], sizes = [1, 512], strides = [1, 1]} : vector<16x512xf32> to vector<1x512xf32>
      %mul3A_1305 = vector.broadcast %slice3A_1304 : vector<1x512xf32> to vector<16x512xf32>
      %mul3A_1306 = arith.mulf %slice3A_1303, %mul3A_1305 : vector<16x512xf32>
      %add3A_1307 = arith.addf %add3A_1302, %mul3A_1306 : vector<16x512xf32>
      %slice3A_1308 = vector.extract_strided_slice %add3A_1243 {offsets = [208, 0], sizes = [16, 512], strides = [1, 1]} : vector<256x512xf32> to vector<16x512xf32>
      %slice3A_1309 = vector.extract_strided_slice %get3A_1115 {offsets = [13, 0], sizes = [1, 512], strides = [1, 1]} : vector<16x512xf32> to vector<1x512xf32>
      %mul3A_1310 = vector.broadcast %slice3A_1309 : vector<1x512xf32> to vector<16x512xf32>
      %mul3A_1311 = arith.mulf %slice3A_1308, %mul3A_1310 : vector<16x512xf32>
      %add3A_1312 = arith.addf %add3A_1307, %mul3A_1311 : vector<16x512xf32>
      %slice3A_1313 = vector.extract_strided_slice %add3A_1243 {offsets = [224, 0], sizes = [16, 512], strides = [1, 1]} : vector<256x512xf32> to vector<16x512xf32>
      %slice3A_1314 = vector.extract_strided_slice %get3A_1115 {offsets = [14, 0], sizes = [1, 512], strides = [1, 1]} : vector<16x512xf32> to vector<1x512xf32>
      %mul3A_1315 = vector.broadcast %slice3A_1314 : vector<1x512xf32> to vector<16x512xf32>
      %mul3A_1316 = arith.mulf %slice3A_1313, %mul3A_1315 : vector<16x512xf32>
      %add3A_1317 = arith.addf %add3A_1312, %mul3A_1316 : vector<16x512xf32>
      %slice3A_1318 = vector.extract_strided_slice %add3A_1243 {offsets = [240, 0], sizes = [16, 512], strides = [1, 1]} : vector<256x512xf32> to vector<16x512xf32>
      %slice3A_1319 = vector.extract_strided_slice %get3A_1115 {offsets = [15, 0], sizes = [1, 512], strides = [1, 1]} : vector<16x512xf32> to vector<1x512xf32>
      %mul3A_1320 = vector.broadcast %slice3A_1319 : vector<1x512xf32> to vector<16x512xf32>
      %mul3A_1321 = arith.mulf %slice3A_1318, %mul3A_1320 : vector<16x512xf32>
      %add3A_1322 = arith.addf %add3A_1317, %mul3A_1321 : vector<16x512xf32>
      %swap3A_1323 = arith.index_cast %add3A_1110 : i32 to index
      %swap3A_1324 = arith.constant 0 : index
      %swap3A_1325 = arith.constant 0 : index
      %swap3A_1326 = vector.load %arg7[%swap3A_1323, %swap3A_1324, %swap3A_1325] : memref<64x16x512xf32, #tpu.memory_space<vmem>>, vector<1x16x512xf32>
      %swap3A_1327 = vector.shape_cast %swap3A_1326 : vector<1x16x512xf32> to vector<16x512xf32>
      %swap3A_1328 = vector.shape_cast %add3A_1322 : vector<16x512xf32> to vector<1x16x512xf32>
      tpu.vector_store %arg7[%swap3A_1323, %swap3A_1324, %swap3A_1325], %swap3A_1328 {strides = array<i32>} : memref<64x16x512xf32, #tpu.memory_space<vmem>>, vector<1x16x512xf32>,
      %mul3A_1329 = arith.constant 8 : i32
      %mul3A_1330 = arith.muli %scan3A_4, %mul3A_1329 : i32
      %add3A_1331 = arith.constant 6 : i32
      %add3A_1332 = arith.addi %mul3A_1330, %add3A_1331 : i32
      %get3A_1333 = arith.index_cast %add3A_1332 : i32 to index
      %get3A_1334 = arith.constant 0 : index
      %get3A_1335 = arith.constant 0 : index
      %get3A_1336 = vector.load %arg0[%get3A_1333, %get3A_1334, %get3A_1335] : memref<64x16x512xf32, #tpu.memory_space<vmem>>, vector<1x16x512xf32>
      %get3A_1337 = vector.shape_cast %get3A_1336 : vector<1x16x512xf32> to vector<16x512xf32>
      %get3A_1338 = arith.index_cast %add3A_1332 : i32 to index
      %get3A_1339 = arith.constant 0 : index
      %get3A_1340 = arith.constant 0 : index
      %get3A_1341 = vector.load %arg1[%get3A_1338, %get3A_1339, %get3A_1340] : memref<64x4x512xf32, #tpu.memory_space<vmem>>, vector<1x4x512xf32>
      %get3A_1342 = vector.shape_cast %get3A_1341 : vector<1x4x512xf32> to vector<4x512xf32>
      %get3A_1343 = arith.index_cast %add3A_1332 : i32 to index
      %get3A_1344 = arith.constant 0 : index
      %get3A_1345 = arith.constant 0 : index
      %get3A_1346 = vector.load %arg2[%get3A_1343, %get3A_1344, %get3A_1345] : memref<64x2x512xf32, #tpu.memory_space<vmem>>, vector<1x2x512xf32>
      %get3A_1347 = vector.shape_cast %get3A_1346 : vector<1x2x512xf32> to vector<2x512xf32>
      %get3A_1348 = arith.index_cast %add3A_1332 : i32 to index
      %get3A_1349 = arith.constant 0 : index
      %get3A_1350 = arith.constant 0 : index
      %get3A_1351 = vector.load %arg3[%get3A_1348, %get3A_1349, %get3A_1350] : memref<64x1x512xf32, #tpu.memory_space<vmem>>, vector<1x1x512xf32>
      %get3A_1352 = vector.shape_cast %get3A_1351 : vector<1x1x512xf32> to vector<1x512xf32>
      %get3A_1353 = arith.constant 0 : index
      %get3A_1354 = arith.constant 0 : index
      %get3A_1355 = vector.load %arg6[%get3A_1353, %get3A_1354] : memref<256x1xf32, #tpu.memory_space<vmem>>, vector<256x1xf32>
      %mul3A_1356 = vector.broadcast %get3A_1355 : vector<256x1xf32> to vector<256x512xf32>
      %mul3A_1357 = vector.broadcast %get3A_1352 : vector<1x512xf32> to vector<256x512xf32>
      %mul3A_1358 = arith.mulf %mul3A_1356, %mul3A_1357 : vector<256x512xf32>
      %slice3A_1359 = vector.extract_strided_slice %get3A_1337 {offsets = [0, 0], sizes = [1, 512], strides = [1, 1]} : vector<16x512xf32> to vector<1x512xf32>
      %mul3A_1360 = vector.broadcast %slice3A_1359 : vector<1x512xf32> to vector<16x512xf32>
      %mul3A_1361 = arith.mulf %get3A_1337, %mul3A_1360 : vector<16x512xf32>
      %slice3A_1362 = vector.extract_strided_slice %get3A_1337 {offsets = [1, 0], sizes = [1, 512], strides = [1, 1]} : vector<16x512xf32> to vector<1x512xf32>
      %mul3A_1363 = vector.broadcast %slice3A_1362 : vector<1x512xf32> to vector<16x512xf32>
      %mul3A_1364 = arith.mulf %get3A_1337, %mul3A_1363 : vector<16x512xf32>
      %slice3A_1365 = vector.extract_strided_slice %get3A_1337 {offsets = [2, 0], sizes = [1, 512], strides = [1, 1]} : vector<16x512xf32> to vector<1x512xf32>
      %mul3A_1366 = vector.broadcast %slice3A_1365 : vector<1x512xf32> to vector<16x512xf32>
      %mul3A_1367 = arith.mulf %get3A_1337, %mul3A_1366 : vector<16x512xf32>
      %slice3A_1368 = vector.extract_strided_slice %get3A_1337 {offsets = [3, 0], sizes = [1, 512], strides = [1, 1]} : vector<16x512xf32> to vector<1x512xf32>
      %mul3A_1369 = vector.broadcast %slice3A_1368 : vector<1x512xf32> to vector<16x512xf32>
      %mul3A_1370 = arith.mulf %get3A_1337, %mul3A_1369 : vector<16x512xf32>
      %slice3A_1371 = vector.extract_strided_slice %get3A_1337 {offsets = [4, 0], sizes = [1, 512], strides = [1, 1]} : vector<16x512xf32> to vector<1x512xf32>
      %mul3A_1372 = vector.broadcast %slice3A_1371 : vector<1x512xf32> to vector<16x512xf32>
      %mul3A_1373 = arith.mulf %get3A_1337, %mul3A_1372 : vector<16x512xf32>
      %slice3A_1374 = vector.extract_strided_slice %get3A_1337 {offsets = [5, 0], sizes = [1, 512], strides = [1, 1]} : vector<16x512xf32> to vector<1x512xf32>
      %mul3A_1375 = vector.broadcast %slice3A_1374 : vector<1x512xf32> to vector<16x512xf32>
      %mul3A_1376 = arith.mulf %get3A_1337, %mul3A_1375 : vector<16x512xf32>
      %slice3A_1377 = vector.extract_strided_slice %get3A_1337 {offsets = [6, 0], sizes = [1, 512], strides = [1, 1]} : vector<16x512xf32> to vector<1x512xf32>
      %mul3A_1378 = vector.broadcast %slice3A_1377 : vector<1x512xf32> to vector<16x512xf32>
      %mul3A_1379 = arith.mulf %get3A_1337, %mul3A_1378 : vector<16x512xf32>
      %slice3A_1380 = vector.extract_strided_slice %get3A_1337 {offsets = [7, 0], sizes = [1, 512], strides = [1, 1]} : vector<16x512xf32> to vector<1x512xf32>
      %mul3A_1381 = vector.broadcast %slice3A_1380 : vector<1x512xf32> to vector<16x512xf32>
      %mul3A_1382 = arith.mulf %get3A_1337, %mul3A_1381 : vector<16x512xf32>
      %slice3A_1383 = vector.extract_strided_slice %get3A_1337 {offsets = [8, 0], sizes = [1, 512], strides = [1, 1]} : vector<16x512xf32> to vector<1x512xf32>
      %mul3A_1384 = vector.broadcast %slice3A_1383 : vector<1x512xf32> to vector<16x512xf32>
      %mul3A_1385 = arith.mulf %get3A_1337, %mul3A_1384 : vector<16x512xf32>
      %slice3A_1386 = vector.extract_strided_slice %get3A_1337 {offsets = [9, 0], sizes = [1, 512], strides = [1, 1]} : vector<16x512xf32> to vector<1x512xf32>
      %mul3A_1387 = vector.broadcast %slice3A_1386 : vector<1x512xf32> to vector<16x512xf32>
      %mul3A_1388 = arith.mulf %get3A_1337, %mul3A_1387 : vector<16x512xf32>
      %slice3A_1389 = vector.extract_strided_slice %get3A_1337 {offsets = [10, 0], sizes = [1, 512], strides = [1, 1]} : vector<16x512xf32> to vector<1x512xf32>
      %mul3A_1390 = vector.broadcast %slice3A_1389 : vector<1x512xf32> to vector<16x512xf32>
      %mul3A_1391 = arith.mulf %get3A_1337, %mul3A_1390 : vector<16x512xf32>
      %slice3A_1392 = vector.extract_strided_slice %get3A_1337 {offsets = [11, 0], sizes = [1, 512], strides = [1, 1]} : vector<16x512xf32> to vector<1x512xf32>
      %mul3A_1393 = vector.broadcast %slice3A_1392 : vector<1x512xf32> to vector<16x512xf32>
      %mul3A_1394 = arith.mulf %get3A_1337, %mul3A_1393 : vector<16x512xf32>
      %slice3A_1395 = vector.extract_strided_slice %get3A_1337 {offsets = [12, 0], sizes = [1, 512], strides = [1, 1]} : vector<16x512xf32> to vector<1x512xf32>
      %mul3A_1396 = vector.broadcast %slice3A_1395 : vector<1x512xf32> to vector<16x512xf32>
      %mul3A_1397 = arith.mulf %get3A_1337, %mul3A_1396 : vector<16x512xf32>
      %slice3A_1398 = vector.extract_strided_slice %get3A_1337 {offsets = [13, 0], sizes = [1, 512], strides = [1, 1]} : vector<16x512xf32> to vector<1x512xf32>
      %mul3A_1399 = vector.broadcast %slice3A_1398 : vector<1x512xf32> to vector<16x512xf32>
      %mul3A_1400 = arith.mulf %get3A_1337, %mul3A_1399 : vector<16x512xf32>
      %slice3A_1401 = vector.extract_strided_slice %get3A_1337 {offsets = [14, 0], sizes = [1, 512], strides = [1, 1]} : vector<16x512xf32> to vector<1x512xf32>
      %mul3A_1402 = vector.broadcast %slice3A_1401 : vector<1x512xf32> to vector<16x512xf32>
      %mul3A_1403 = arith.mulf %get3A_1337, %mul3A_1402 : vector<16x512xf32>
      %slice3A_1404 = vector.extract_strided_slice %get3A_1337 {offsets = [15, 0], sizes = [1, 512], strides = [1, 1]} : vector<16x512xf32> to vector<1x512xf32>
      %mul3A_1405 = vector.broadcast %slice3A_1404 : vector<1x512xf32> to vector<16x512xf32>
      %mul3A_1406 = arith.mulf %get3A_1337, %mul3A_1405 : vector<16x512xf32>
      %concatenate3A_1407 = tpu.concatenate %mul3A_1361, %mul3A_1364, %mul3A_1367, %mul3A_1370, %mul3A_1373, %mul3A_1376, %mul3A_1379, %mul3A_1382, %mul3A_1385, %mul3A_1388, %mul3A_1391, %mul3A_1394, %mul3A_1397, %mul3A_1400, %mul3A_1403, %mul3A_1406 in 0 : vector<16x512xf32>, vector<16x512xf32>, vector<16x512xf32>, vector<16x512xf32>, vector<16x512xf32>, vector<16x512xf32>, vector<16x512xf32>, vector<16x512xf32>, vector<16x512xf32>, vector<16x512xf32>, vector<16x512xf32>, vector<16x512xf32>, vector<16x512xf32>, vector<16x512xf32>, vector<16x512xf32>, vector<16x512xf32> -> vector<256x512xf32>
      %convert_element_type3A_1408 = arith.truncf %concatenate3A_1407 : vector<256x512xf32> to vector<256x512xbf16>
      %get3A_1409 = arith.constant 0 : index
      %get3A_1410 = arith.constant 0 : index
      %get3A_1411 = arith.constant 0 : index
      %get3A_1412 = vector.load %arg4[%get3A_1409, %get3A_1410, %get3A_1411] : memref<4x256x256xbf16, #tpu.memory_space<vmem>>, vector<1x256x256xbf16>
      %get3A_1413 = vector.shape_cast %get3A_1412 : vector<1x256x256xbf16> to vector<256x256xbf16>
      %dot_general3A_1414 = arith.constant dense<0.000000e+00> : vector<256x512xf32>
      %dot_general3A_1415 = tpu.matmul %get3A_1413, %convert_element_type3A_1408, %dot_general3A_1414 {dimension_numbers = #tpu.dot_dimension_numbers<[1], [0], [0], [1], [0, 0, 1, 1], [], []>, transpose_lhs_hint = false} : vector<256x256xbf16>, vector<256x512xbf16>, vector<256x512xf32> -> vector<256x512xf32>
      %slice3A_1416 = vector.extract_strided_slice %get3A_1342 {offsets = [0, 0], sizes = [1, 512], strides = [1, 1]} : vector<4x512xf32> to vector<1x512xf32>
      %mul3A_1417 = vector.broadcast %slice3A_1416 : vector<1x512xf32> to vector<256x512xf32>
      %mul3A_1418 = arith.mulf %dot_general3A_1415, %mul3A_1417 : vector<256x512xf32>
      %add3A_1419 = arith.addf %mul3A_1358, %mul3A_1418 : vector<256x512xf32>
      %get3A_1420 = arith.constant 1 : index
      %get3A_1421 = arith.constant 0 : index
      %get3A_1422 = arith.constant 0 : index
      %get3A_1423 = vector.load %arg4[%get3A_1420, %get3A_1421, %get3A_1422] : memref<4x256x256xbf16, #tpu.memory_space<vmem>>, vector<1x256x256xbf16>
      %get3A_1424 = vector.shape_cast %get3A_1423 : vector<1x256x256xbf16> to vector<256x256xbf16>
      %dot_general3A_1425 = arith.constant dense<0.000000e+00> : vector<256x512xf32>
      %dot_general3A_1426 = tpu.matmul %get3A_1424, %convert_element_type3A_1408, %dot_general3A_1425 {dimension_numbers = #tpu.dot_dimension_numbers<[1], [0], [0], [1], [0, 0, 1, 1], [], []>, transpose_lhs_hint = false} : vector<256x256xbf16>, vector<256x512xbf16>, vector<256x512xf32> -> vector<256x512xf32>
      %slice3A_1427 = vector.extract_strided_slice %get3A_1342 {offsets = [1, 0], sizes = [1, 512], strides = [1, 1]} : vector<4x512xf32> to vector<1x512xf32>
      %mul3A_1428 = vector.broadcast %slice3A_1427 : vector<1x512xf32> to vector<256x512xf32>
      %mul3A_1429 = arith.mulf %dot_general3A_1426, %mul3A_1428 : vector<256x512xf32>
      %add3A_1430 = arith.addf %add3A_1419, %mul3A_1429 : vector<256x512xf32>
      %get3A_1431 = arith.constant 2 : index
      %get3A_1432 = arith.constant 0 : index
      %get3A_1433 = arith.constant 0 : index
      %get3A_1434 = vector.load %arg4[%get3A_1431, %get3A_1432, %get3A_1433] : memref<4x256x256xbf16, #tpu.memory_space<vmem>>, vector<1x256x256xbf16>
      %get3A_1435 = vector.shape_cast %get3A_1434 : vector<1x256x256xbf16> to vector<256x256xbf16>
      %dot_general3A_1436 = arith.constant dense<0.000000e+00> : vector<256x512xf32>
      %dot_general3A_1437 = tpu.matmul %get3A_1435, %convert_element_type3A_1408, %dot_general3A_1436 {dimension_numbers = #tpu.dot_dimension_numbers<[1], [0], [0], [1], [0, 0, 1, 1], [], []>, transpose_lhs_hint = false} : vector<256x256xbf16>, vector<256x512xbf16>, vector<256x512xf32> -> vector<256x512xf32>
      %slice3A_1438 = vector.extract_strided_slice %get3A_1342 {offsets = [2, 0], sizes = [1, 512], strides = [1, 1]} : vector<4x512xf32> to vector<1x512xf32>
      %mul3A_1439 = vector.broadcast %slice3A_1438 : vector<1x512xf32> to vector<256x512xf32>
      %mul3A_1440 = arith.mulf %dot_general3A_1437, %mul3A_1439 : vector<256x512xf32>
      %add3A_1441 = arith.addf %add3A_1430, %mul3A_1440 : vector<256x512xf32>
      %get3A_1442 = arith.constant 3 : index
      %get3A_1443 = arith.constant 0 : index
      %get3A_1444 = arith.constant 0 : index
      %get3A_1445 = vector.load %arg4[%get3A_1442, %get3A_1443, %get3A_1444] : memref<4x256x256xbf16, #tpu.memory_space<vmem>>, vector<1x256x256xbf16>
      %get3A_1446 = vector.shape_cast %get3A_1445 : vector<1x256x256xbf16> to vector<256x256xbf16>
      %dot_general3A_1447 = arith.constant dense<0.000000e+00> : vector<256x512xf32>
      %dot_general3A_1448 = tpu.matmul %get3A_1446, %convert_element_type3A_1408, %dot_general3A_1447 {dimension_numbers = #tpu.dot_dimension_numbers<[1], [0], [0], [1], [0, 0, 1, 1], [], []>, transpose_lhs_hint = false} : vector<256x256xbf16>, vector<256x512xbf16>, vector<256x512xf32> -> vector<256x512xf32>
      %slice3A_1449 = vector.extract_strided_slice %get3A_1342 {offsets = [3, 0], sizes = [1, 512], strides = [1, 1]} : vector<4x512xf32> to vector<1x512xf32>
      %mul3A_1450 = vector.broadcast %slice3A_1449 : vector<1x512xf32> to vector<256x512xf32>
      %mul3A_1451 = arith.mulf %dot_general3A_1448, %mul3A_1450 : vector<256x512xf32>
      %add3A_1452 = arith.addf %add3A_1441, %mul3A_1451 : vector<256x512xf32>
      %slice3A_1453 = vector.extract_strided_slice %get3A_1347 {offsets = [0, 0], sizes = [1, 512], strides = [1, 1]} : vector<2x512xf32> to vector<1x512xf32>
      %mul3A_1454 = vector.broadcast %slice3A_1453 : vector<1x512xf32> to vector<16x512xf32>
      %mul3A_1455 = arith.mulf %get3A_1337, %mul3A_1454 : vector<16x512xf32>
      %slice3A_1456 = vector.extract_strided_slice %get3A_1347 {offsets = [1, 0], sizes = [1, 512], strides = [1, 1]} : vector<2x512xf32> to vector<1x512xf32>
      %mul3A_1457 = vector.broadcast %slice3A_1456 : vector<1x512xf32> to vector<16x512xf32>
      %mul3A_1458 = arith.mulf %get3A_1337, %mul3A_1457 : vector<16x512xf32>
      %concatenate3A_1459 = tpu.concatenate %mul3A_1455, %mul3A_1458 in 0 : vector<16x512xf32>, vector<16x512xf32> -> vector<32x512xf32>
      %get3A_1460 = arith.constant 0 : index
      %get3A_1461 = arith.constant 0 : index
      %get3A_1462 = vector.load %arg5[%get3A_1460, %get3A_1461] : memref<256x32xf32, #tpu.memory_space<vmem>>, vector<256x32xf32>
      %dot_general3A_1463 = arith.constant dense<0.000000e+00> : vector<256x512xf32>
      %dot_general3A_1464 = tpu.matmul %get3A_1462, %concatenate3A_1459, %dot_general3A_1463 {dimension_numbers = #tpu.dot_dimension_numbers<[1], [0], [0], [1], [0, 0, 1, 1], [], []>, transpose_lhs_hint = false} : vector<256x32xf32>, vector<32x512xf32>, vector<256x512xf32> -> vector<256x512xf32>
      %add3A_1465 = arith.addf %add3A_1452, %dot_general3A_1464 : vector<256x512xf32>
      %slice3A_1466 = vector.extract_strided_slice %add3A_1465 {offsets = [0, 0], sizes = [16, 512], strides = [1, 1]} : vector<256x512xf32> to vector<16x512xf32>
      %slice3A_1467 = vector.extract_strided_slice %get3A_1337 {offsets = [0, 0], sizes = [1, 512], strides = [1, 1]} : vector<16x512xf32> to vector<1x512xf32>
      %mul3A_1468 = vector.broadcast %slice3A_1467 : vector<1x512xf32> to vector<16x512xf32>
      %mul3A_1469 = arith.mulf %slice3A_1466, %mul3A_1468 : vector<16x512xf32>
      %slice3A_1470 = vector.extract_strided_slice %add3A_1465 {offsets = [16, 0], sizes = [16, 512], strides = [1, 1]} : vector<256x512xf32> to vector<16x512xf32>
      %slice3A_1471 = vector.extract_strided_slice %get3A_1337 {offsets = [1, 0], sizes = [1, 512], strides = [1, 1]} : vector<16x512xf32> to vector<1x512xf32>
      %mul3A_1472 = vector.broadcast %slice3A_1471 : vector<1x512xf32> to vector<16x512xf32>
      %mul3A_1473 = arith.mulf %slice3A_1470, %mul3A_1472 : vector<16x512xf32>
      %add3A_1474 = arith.addf %mul3A_1469, %mul3A_1473 : vector<16x512xf32>
      %slice3A_1475 = vector.extract_strided_slice %add3A_1465 {offsets = [32, 0], sizes = [16, 512], strides = [1, 1]} : vector<256x512xf32> to vector<16x512xf32>
      %slice3A_1476 = vector.extract_strided_slice %get3A_1337 {offsets = [2, 0], sizes = [1, 512], strides = [1, 1]} : vector<16x512xf32> to vector<1x512xf32>
      %mul3A_1477 = vector.broadcast %slice3A_1476 : vector<1x512xf32> to vector<16x512xf32>
      %mul3A_1478 = arith.mulf %slice3A_1475, %mul3A_1477 : vector<16x512xf32>
      %add3A_1479 = arith.addf %add3A_1474, %mul3A_1478 : vector<16x512xf32>
      %slice3A_1480 = vector.extract_strided_slice %add3A_1465 {offsets = [48, 0], sizes = [16, 512], strides = [1, 1]} : vector<256x512xf32> to vector<16x512xf32>
      %slice3A_1481 = vector.extract_strided_slice %get3A_1337 {offsets = [3, 0], sizes = [1, 512], strides = [1, 1]} : vector<16x512xf32> to vector<1x512xf32>
      %mul3A_1482 = vector.broadcast %slice3A_1481 : vector<1x512xf32> to vector<16x512xf32>
      %mul3A_1483 = arith.mulf %slice3A_1480, %mul3A_1482 : vector<16x512xf32>
      %add3A_1484 = arith.addf %add3A_1479, %mul3A_1483 : vector<16x512xf32>
      %slice3A_1485 = vector.extract_strided_slice %add3A_1465 {offsets = [64, 0], sizes = [16, 512], strides = [1, 1]} : vector<256x512xf32> to vector<16x512xf32>
      %slice3A_1486 = vector.extract_strided_slice %get3A_1337 {offsets = [4, 0], sizes = [1, 512], strides = [1, 1]} : vector<16x512xf32> to vector<1x512xf32>
      %mul3A_1487 = vector.broadcast %slice3A_1486 : vector<1x512xf32> to vector<16x512xf32>
      %mul3A_1488 = arith.mulf %slice3A_1485, %mul3A_1487 : vector<16x512xf32>
      %add3A_1489 = arith.addf %add3A_1484, %mul3A_1488 : vector<16x512xf32>
      %slice3A_1490 = vector.extract_strided_slice %add3A_1465 {offsets = [80, 0], sizes = [16, 512], strides = [1, 1]} : vector<256x512xf32> to vector<16x512xf32>
      %slice3A_1491 = vector.extract_strided_slice %get3A_1337 {offsets = [5, 0], sizes = [1, 512], strides = [1, 1]} : vector<16x512xf32> to vector<1x512xf32>
      %mul3A_1492 = vector.broadcast %slice3A_1491 : vector<1x512xf32> to vector<16x512xf32>
      %mul3A_1493 = arith.mulf %slice3A_1490, %mul3A_1492 : vector<16x512xf32>
      %add3A_1494 = arith.addf %add3A_1489, %mul3A_1493 : vector<16x512xf32>
      %slice3A_1495 = vector.extract_strided_slice %add3A_1465 {offsets = [96, 0], sizes = [16, 512], strides = [1, 1]} : vector<256x512xf32> to vector<16x512xf32>
      %slice3A_1496 = vector.extract_strided_slice %get3A_1337 {offsets = [6, 0], sizes = [1, 512], strides = [1, 1]} : vector<16x512xf32> to vector<1x512xf32>
      %mul3A_1497 = vector.broadcast %slice3A_1496 : vector<1x512xf32> to vector<16x512xf32>
      %mul3A_1498 = arith.mulf %slice3A_1495, %mul3A_1497 : vector<16x512xf32>
      %add3A_1499 = arith.addf %add3A_1494, %mul3A_1498 : vector<16x512xf32>
      %slice3A_1500 = vector.extract_strided_slice %add3A_1465 {offsets = [112, 0], sizes = [16, 512], strides = [1, 1]} : vector<256x512xf32> to vector<16x512xf32>
      %slice3A_1501 = vector.extract_strided_slice %get3A_1337 {offsets = [7, 0], sizes = [1, 512], strides = [1, 1]} : vector<16x512xf32> to vector<1x512xf32>
      %mul3A_1502 = vector.broadcast %slice3A_1501 : vector<1x512xf32> to vector<16x512xf32>
      %mul3A_1503 = arith.mulf %slice3A_1500, %mul3A_1502 : vector<16x512xf32>
      %add3A_1504 = arith.addf %add3A_1499, %mul3A_1503 : vector<16x512xf32>
      %slice3A_1505 = vector.extract_strided_slice %add3A_1465 {offsets = [128, 0], sizes = [16, 512], strides = [1, 1]} : vector<256x512xf32> to vector<16x512xf32>
      %slice3A_1506 = vector.extract_strided_slice %get3A_1337 {offsets = [8, 0], sizes = [1, 512], strides = [1, 1]} : vector<16x512xf32> to vector<1x512xf32>
      %mul3A_1507 = vector.broadcast %slice3A_1506 : vector<1x512xf32> to vector<16x512xf32>
      %mul3A_1508 = arith.mulf %slice3A_1505, %mul3A_1507 : vector<16x512xf32>
      %add3A_1509 = arith.addf %add3A_1504, %mul3A_1508 : vector<16x512xf32>
      %slice3A_1510 = vector.extract_strided_slice %add3A_1465 {offsets = [144, 0], sizes = [16, 512], strides = [1, 1]} : vector<256x512xf32> to vector<16x512xf32>
      %slice3A_1511 = vector.extract_strided_slice %get3A_1337 {offsets = [9, 0], sizes = [1, 512], strides = [1, 1]} : vector<16x512xf32> to vector<1x512xf32>
      %mul3A_1512 = vector.broadcast %slice3A_1511 : vector<1x512xf32> to vector<16x512xf32>
      %mul3A_1513 = arith.mulf %slice3A_1510, %mul3A_1512 : vector<16x512xf32>
      %add3A_1514 = arith.addf %add3A_1509, %mul3A_1513 : vector<16x512xf32>
      %slice3A_1515 = vector.extract_strided_slice %add3A_1465 {offsets = [160, 0], sizes = [16, 512], strides = [1, 1]} : vector<256x512xf32> to vector<16x512xf32>
      %slice3A_1516 = vector.extract_strided_slice %get3A_1337 {offsets = [10, 0], sizes = [1, 512], strides = [1, 1]} : vector<16x512xf32> to vector<1x512xf32>
      %mul3A_1517 = vector.broadcast %slice3A_1516 : vector<1x512xf32> to vector<16x512xf32>
      %mul3A_1518 = arith.mulf %slice3A_1515, %mul3A_1517 : vector<16x512xf32>
      %add3A_1519 = arith.addf %add3A_1514, %mul3A_1518 : vector<16x512xf32>
      %slice3A_1520 = vector.extract_strided_slice %add3A_1465 {offsets = [176, 0], sizes = [16, 512], strides = [1, 1]} : vector<256x512xf32> to vector<16x512xf32>
      %slice3A_1521 = vector.extract_strided_slice %get3A_1337 {offsets = [11, 0], sizes = [1, 512], strides = [1, 1]} : vector<16x512xf32> to vector<1x512xf32>
      %mul3A_1522 = vector.broadcast %slice3A_1521 : vector<1x512xf32> to vector<16x512xf32>
      %mul3A_1523 = arith.mulf %slice3A_1520, %mul3A_1522 : vector<16x512xf32>
      %add3A_1524 = arith.addf %add3A_1519, %mul3A_1523 : vector<16x512xf32>
      %slice3A_1525 = vector.extract_strided_slice %add3A_1465 {offsets = [192, 0], sizes = [16, 512], strides = [1, 1]} : vector<256x512xf32> to vector<16x512xf32>
      %slice3A_1526 = vector.extract_strided_slice %get3A_1337 {offsets = [12, 0], sizes = [1, 512], strides = [1, 1]} : vector<16x512xf32> to vector<1x512xf32>
      %mul3A_1527 = vector.broadcast %slice3A_1526 : vector<1x512xf32> to vector<16x512xf32>
      %mul3A_1528 = arith.mulf %slice3A_1525, %mul3A_1527 : vector<16x512xf32>
      %add3A_1529 = arith.addf %add3A_1524, %mul3A_1528 : vector<16x512xf32>
      %slice3A_1530 = vector.extract_strided_slice %add3A_1465 {offsets = [208, 0], sizes = [16, 512], strides = [1, 1]} : vector<256x512xf32> to vector<16x512xf32>
      %slice3A_1531 = vector.extract_strided_slice %get3A_1337 {offsets = [13, 0], sizes = [1, 512], strides = [1, 1]} : vector<16x512xf32> to vector<1x512xf32>
      %mul3A_1532 = vector.broadcast %slice3A_1531 : vector<1x512xf32> to vector<16x512xf32>
      %mul3A_1533 = arith.mulf %slice3A_1530, %mul3A_1532 : vector<16x512xf32>
      %add3A_1534 = arith.addf %add3A_1529, %mul3A_1533 : vector<16x512xf32>
      %slice3A_1535 = vector.extract_strided_slice %add3A_1465 {offsets = [224, 0], sizes = [16, 512], strides = [1, 1]} : vector<256x512xf32> to vector<16x512xf32>
      %slice3A_1536 = vector.extract_strided_slice %get3A_1337 {offsets = [14, 0], sizes = [1, 512], strides = [1, 1]} : vector<16x512xf32> to vector<1x512xf32>
      %mul3A_1537 = vector.broadcast %slice3A_1536 : vector<1x512xf32> to vector<16x512xf32>
      %mul3A_1538 = arith.mulf %slice3A_1535, %mul3A_1537 : vector<16x512xf32>
      %add3A_1539 = arith.addf %add3A_1534, %mul3A_1538 : vector<16x512xf32>
      %slice3A_1540 = vector.extract_strided_slice %add3A_1465 {offsets = [240, 0], sizes = [16, 512], strides = [1, 1]} : vector<256x512xf32> to vector<16x512xf32>
      %slice3A_1541 = vector.extract_strided_slice %get3A_1337 {offsets = [15, 0], sizes = [1, 512], strides = [1, 1]} : vector<16x512xf32> to vector<1x512xf32>
      %mul3A_1542 = vector.broadcast %slice3A_1541 : vector<1x512xf32> to vector<16x512xf32>
      %mul3A_1543 = arith.mulf %slice3A_1540, %mul3A_1542 : vector<16x512xf32>
      %add3A_1544 = arith.addf %add3A_1539, %mul3A_1543 : vector<16x512xf32>
      %swap3A_1545 = arith.index_cast %add3A_1332 : i32 to index
      %swap3A_1546 = arith.constant 0 : index
      %swap3A_1547 = arith.constant 0 : index
      %swap3A_1548 = vector.load %arg7[%swap3A_1545, %swap3A_1546, %swap3A_1547] : memref<64x16x512xf32, #tpu.memory_space<vmem>>, vector<1x16x512xf32>
      %swap3A_1549 = vector.shape_cast %swap3A_1548 : vector<1x16x512xf32> to vector<16x512xf32>
      %swap3A_1550 = vector.shape_cast %add3A_1544 : vector<16x512xf32> to vector<1x16x512xf32>
      tpu.vector_store %arg7[%swap3A_1545, %swap3A_1546, %swap3A_1547], %swap3A_1550 {strides = array<i32>} : memref<64x16x512xf32, #tpu.memory_space<vmem>>, vector<1x16x512xf32>,
      %mul3A_1551 = arith.constant 8 : i32
      %mul3A_1552 = arith.muli %scan3A_4, %mul3A_1551 : i32
      %add3A_1553 = arith.constant 7 : i32
      %add3A_1554 = arith.addi %mul3A_1552, %add3A_1553 : i32
      %get3A_1555 = arith.index_cast %add3A_1554 : i32 to index
      %get3A_1556 = arith.constant 0 : index
      %get3A_1557 = arith.constant 0 : index
      %get3A_1558 = vector.load %arg0[%get3A_1555, %get3A_1556, %get3A_1557] : memref<64x16x512xf32, #tpu.memory_space<vmem>>, vector<1x16x512xf32>
      %get3A_1559 = vector.shape_cast %get3A_1558 : vector<1x16x512xf32> to vector<16x512xf32>
      %get3A_1560 = arith.index_cast %add3A_1554 : i32 to index
      %get3A_1561 = arith.constant 0 : index
      %get3A_1562 = arith.constant 0 : index
      %get3A_1563 = vector.load %arg1[%get3A_1560, %get3A_1561, %get3A_1562] : memref<64x4x512xf32, #tpu.memory_space<vmem>>, vector<1x4x512xf32>
      %get3A_1564 = vector.shape_cast %get3A_1563 : vector<1x4x512xf32> to vector<4x512xf32>
      %get3A_1565 = arith.index_cast %add3A_1554 : i32 to index
      %get3A_1566 = arith.constant 0 : index
      %get3A_1567 = arith.constant 0 : index
      %get3A_1568 = vector.load %arg2[%get3A_1565, %get3A_1566, %get3A_1567] : memref<64x2x512xf32, #tpu.memory_space<vmem>>, vector<1x2x512xf32>
      %get3A_1569 = vector.shape_cast %get3A_1568 : vector<1x2x512xf32> to vector<2x512xf32>
      %get3A_1570 = arith.index_cast %add3A_1554 : i32 to index
      %get3A_1571 = arith.constant 0 : index
      %get3A_1572 = arith.constant 0 : index
      %get3A_1573 = vector.load %arg3[%get3A_1570, %get3A_1571, %get3A_1572] : memref<64x1x512xf32, #tpu.memory_space<vmem>>, vector<1x1x512xf32>
      %get3A_1574 = vector.shape_cast %get3A_1573 : vector<1x1x512xf32> to vector<1x512xf32>
      %get3A_1575 = arith.constant 0 : index
      %get3A_1576 = arith.constant 0 : index
      %get3A_1577 = vector.load %arg6[%get3A_1575, %get3A_1576] : memref<256x1xf32, #tpu.memory_space<vmem>>, vector<256x1xf32>
      %mul3A_1578 = vector.broadcast %get3A_1577 : vector<256x1xf32> to vector<256x512xf32>
      %mul3A_1579 = vector.broadcast %get3A_1574 : vector<1x512xf32> to vector<256x512xf32>
      %mul3A_1580 = arith.mulf %mul3A_1578, %mul3A_1579 : vector<256x512xf32>
      %slice3A_1581 = vector.extract_strided_slice %get3A_1559 {offsets = [0, 0], sizes = [1, 512], strides = [1, 1]} : vector<16x512xf32> to vector<1x512xf32>
      %mul3A_1582 = vector.broadcast %slice3A_1581 : vector<1x512xf32> to vector<16x512xf32>
      %mul3A_1583 = arith.mulf %get3A_1559, %mul3A_1582 : vector<16x512xf32>
      %slice3A_1584 = vector.extract_strided_slice %get3A_1559 {offsets = [1, 0], sizes = [1, 512], strides = [1, 1]} : vector<16x512xf32> to vector<1x512xf32>
      %mul3A_1585 = vector.broadcast %slice3A_1584 : vector<1x512xf32> to vector<16x512xf32>
      %mul3A_1586 = arith.mulf %get3A_1559, %mul3A_1585 : vector<16x512xf32>
      %slice3A_1587 = vector.extract_strided_slice %get3A_1559 {offsets = [2, 0], sizes = [1, 512], strides = [1, 1]} : vector<16x512xf32> to vector<1x512xf32>
      %mul3A_1588 = vector.broadcast %slice3A_1587 : vector<1x512xf32> to vector<16x512xf32>
      %mul3A_1589 = arith.mulf %get3A_1559, %mul3A_1588 : vector<16x512xf32>
      %slice3A_1590 = vector.extract_strided_slice %get3A_1559 {offsets = [3, 0], sizes = [1, 512], strides = [1, 1]} : vector<16x512xf32> to vector<1x512xf32>
      %mul3A_1591 = vector.broadcast %slice3A_1590 : vector<1x512xf32> to vector<16x512xf32>
      %mul3A_1592 = arith.mulf %get3A_1559, %mul3A_1591 : vector<16x512xf32>
      %slice3A_1593 = vector.extract_strided_slice %get3A_1559 {offsets = [4, 0], sizes = [1, 512], strides = [1, 1]} : vector<16x512xf32> to vector<1x512xf32>
      %mul3A_1594 = vector.broadcast %slice3A_1593 : vector<1x512xf32> to vector<16x512xf32>
      %mul3A_1595 = arith.mulf %get3A_1559, %mul3A_1594 : vector<16x512xf32>
      %slice3A_1596 = vector.extract_strided_slice %get3A_1559 {offsets = [5, 0], sizes = [1, 512], strides = [1, 1]} : vector<16x512xf32> to vector<1x512xf32>
      %mul3A_1597 = vector.broadcast %slice3A_1596 : vector<1x512xf32> to vector<16x512xf32>
      %mul3A_1598 = arith.mulf %get3A_1559, %mul3A_1597 : vector<16x512xf32>
      %slice3A_1599 = vector.extract_strided_slice %get3A_1559 {offsets = [6, 0], sizes = [1, 512], strides = [1, 1]} : vector<16x512xf32> to vector<1x512xf32>
      %mul3A_1600 = vector.broadcast %slice3A_1599 : vector<1x512xf32> to vector<16x512xf32>
      %mul3A_1601 = arith.mulf %get3A_1559, %mul3A_1600 : vector<16x512xf32>
      %slice3A_1602 = vector.extract_strided_slice %get3A_1559 {offsets = [7, 0], sizes = [1, 512], strides = [1, 1]} : vector<16x512xf32> to vector<1x512xf32>
      %mul3A_1603 = vector.broadcast %slice3A_1602 : vector<1x512xf32> to vector<16x512xf32>
      %mul3A_1604 = arith.mulf %get3A_1559, %mul3A_1603 : vector<16x512xf32>
      %slice3A_1605 = vector.extract_strided_slice %get3A_1559 {offsets = [8, 0], sizes = [1, 512], strides = [1, 1]} : vector<16x512xf32> to vector<1x512xf32>
      %mul3A_1606 = vector.broadcast %slice3A_1605 : vector<1x512xf32> to vector<16x512xf32>
      %mul3A_1607 = arith.mulf %get3A_1559, %mul3A_1606 : vector<16x512xf32>
      %slice3A_1608 = vector.extract_strided_slice %get3A_1559 {offsets = [9, 0], sizes = [1, 512], strides = [1, 1]} : vector<16x512xf32> to vector<1x512xf32>
      %mul3A_1609 = vector.broadcast %slice3A_1608 : vector<1x512xf32> to vector<16x512xf32>
      %mul3A_1610 = arith.mulf %get3A_1559, %mul3A_1609 : vector<16x512xf32>
      %slice3A_1611 = vector.extract_strided_slice %get3A_1559 {offsets = [10, 0], sizes = [1, 512], strides = [1, 1]} : vector<16x512xf32> to vector<1x512xf32>
      %mul3A_1612 = vector.broadcast %slice3A_1611 : vector<1x512xf32> to vector<16x512xf32>
      %mul3A_1613 = arith.mulf %get3A_1559, %mul3A_1612 : vector<16x512xf32>
      %slice3A_1614 = vector.extract_strided_slice %get3A_1559 {offsets = [11, 0], sizes = [1, 512], strides = [1, 1]} : vector<16x512xf32> to vector<1x512xf32>
      %mul3A_1615 = vector.broadcast %slice3A_1614 : vector<1x512xf32> to vector<16x512xf32>
      %mul3A_1616 = arith.mulf %get3A_1559, %mul3A_1615 : vector<16x512xf32>
      %slice3A_1617 = vector.extract_strided_slice %get3A_1559 {offsets = [12, 0], sizes = [1, 512], strides = [1, 1]} : vector<16x512xf32> to vector<1x512xf32>
      %mul3A_1618 = vector.broadcast %slice3A_1617 : vector<1x512xf32> to vector<16x512xf32>
      %mul3A_1619 = arith.mulf %get3A_1559, %mul3A_1618 : vector<16x512xf32>
      %slice3A_1620 = vector.extract_strided_slice %get3A_1559 {offsets = [13, 0], sizes = [1, 512], strides = [1, 1]} : vector<16x512xf32> to vector<1x512xf32>
      %mul3A_1621 = vector.broadcast %slice3A_1620 : vector<1x512xf32> to vector<16x512xf32>
      %mul3A_1622 = arith.mulf %get3A_1559, %mul3A_1621 : vector<16x512xf32>
      %slice3A_1623 = vector.extract_strided_slice %get3A_1559 {offsets = [14, 0], sizes = [1, 512], strides = [1, 1]} : vector<16x512xf32> to vector<1x512xf32>
      %mul3A_1624 = vector.broadcast %slice3A_1623 : vector<1x512xf32> to vector<16x512xf32>
      %mul3A_1625 = arith.mulf %get3A_1559, %mul3A_1624 : vector<16x512xf32>
      %slice3A_1626 = vector.extract_strided_slice %get3A_1559 {offsets = [15, 0], sizes = [1, 512], strides = [1, 1]} : vector<16x512xf32> to vector<1x512xf32>
      %mul3A_1627 = vector.broadcast %slice3A_1626 : vector<1x512xf32> to vector<16x512xf32>
      %mul3A_1628 = arith.mulf %get3A_1559, %mul3A_1627 : vector<16x512xf32>
      %concatenate3A_1629 = tpu.concatenate %mul3A_1583, %mul3A_1586, %mul3A_1589, %mul3A_1592, %mul3A_1595, %mul3A_1598, %mul3A_1601, %mul3A_1604, %mul3A_1607, %mul3A_1610, %mul3A_1613, %mul3A_1616, %mul3A_1619, %mul3A_1622, %mul3A_1625, %mul3A_1628 in 0 : vector<16x512xf32>, vector<16x512xf32>, vector<16x512xf32>, vector<16x512xf32>, vector<16x512xf32>, vector<16x512xf32>, vector<16x512xf32>, vector<16x512xf32>, vector<16x512xf32>, vector<16x512xf32>, vector<16x512xf32>, vector<16x512xf32>, vector<16x512xf32>, vector<16x512xf32>, vector<16x512xf32>, vector<16x512xf32> -> vector<256x512xf32>
      %convert_element_type3A_1630 = arith.truncf %concatenate3A_1629 : vector<256x512xf32> to vector<256x512xbf16>
      %get3A_1631 = arith.constant 0 : index
      %get3A_1632 = arith.constant 0 : index
      %get3A_1633 = arith.constant 0 : index
      %get3A_1634 = vector.load %arg4[%get3A_1631, %get3A_1632, %get3A_1633] : memref<4x256x256xbf16, #tpu.memory_space<vmem>>, vector<1x256x256xbf16>
      %get3A_1635 = vector.shape_cast %get3A_1634 : vector<1x256x256xbf16> to vector<256x256xbf16>
      %dot_general3A_1636 = arith.constant dense<0.000000e+00> : vector<256x512xf32>
      %dot_general3A_1637 = tpu.matmul %get3A_1635, %convert_element_type3A_1630, %dot_general3A_1636 {dimension_numbers = #tpu.dot_dimension_numbers<[1], [0], [0], [1], [0, 0, 1, 1], [], []>, transpose_lhs_hint = false} : vector<256x256xbf16>, vector<256x512xbf16>, vector<256x512xf32> -> vector<256x512xf32>
      %slice3A_1638 = vector.extract_strided_slice %get3A_1564 {offsets = [0, 0], sizes = [1, 512], strides = [1, 1]} : vector<4x512xf32> to vector<1x512xf32>
      %mul3A_1639 = vector.broadcast %slice3A_1638 : vector<1x512xf32> to vector<256x512xf32>
      %mul3A_1640 = arith.mulf %dot_general3A_1637, %mul3A_1639 : vector<256x512xf32>
      %add3A_1641 = arith.addf %mul3A_1580, %mul3A_1640 : vector<256x512xf32>
      %get3A_1642 = arith.constant 1 : index
      %get3A_1643 = arith.constant 0 : index
      %get3A_1644 = arith.constant 0 : index
      %get3A_1645 = vector.load %arg4[%get3A_1642, %get3A_1643, %get3A_1644] : memref<4x256x256xbf16, #tpu.memory_space<vmem>>, vector<1x256x256xbf16>
      %get3A_1646 = vector.shape_cast %get3A_1645 : vector<1x256x256xbf16> to vector<256x256xbf16>
      %dot_general3A_1647 = arith.constant dense<0.000000e+00> : vector<256x512xf32>
      %dot_general3A_1648 = tpu.matmul %get3A_1646, %convert_element_type3A_1630, %dot_general3A_1647 {dimension_numbers = #tpu.dot_dimension_numbers<[1], [0], [0], [1], [0, 0, 1, 1], [], []>, transpose_lhs_hint = false} : vector<256x256xbf16>, vector<256x512xbf16>, vector<256x512xf32> -> vector<256x512xf32>
      %slice3A_1649 = vector.extract_strided_slice %get3A_1564 {offsets = [1, 0], sizes = [1, 512], strides = [1, 1]} : vector<4x512xf32> to vector<1x512xf32>
      %mul3A_1650 = vector.broadcast %slice3A_1649 : vector<1x512xf32> to vector<256x512xf32>
      %mul3A_1651 = arith.mulf %dot_general3A_1648, %mul3A_1650 : vector<256x512xf32>
      %add3A_1652 = arith.addf %add3A_1641, %mul3A_1651 : vector<256x512xf32>
      %get3A_1653 = arith.constant 2 : index
      %get3A_1654 = arith.constant 0 : index
      %get3A_1655 = arith.constant 0 : index
      %get3A_1656 = vector.load %arg4[%get3A_1653, %get3A_1654, %get3A_1655] : memref<4x256x256xbf16, #tpu.memory_space<vmem>>, vector<1x256x256xbf16>
      %get3A_1657 = vector.shape_cast %get3A_1656 : vector<1x256x256xbf16> to vector<256x256xbf16>
      %dot_general3A_1658 = arith.constant dense<0.000000e+00> : vector<256x512xf32>
      %dot_general3A_1659 = tpu.matmul %get3A_1657, %convert_element_type3A_1630, %dot_general3A_1658 {dimension_numbers = #tpu.dot_dimension_numbers<[1], [0], [0], [1], [0, 0, 1, 1], [], []>, transpose_lhs_hint = false} : vector<256x256xbf16>, vector<256x512xbf16>, vector<256x512xf32> -> vector<256x512xf32>
      %slice3A_1660 = vector.extract_strided_slice %get3A_1564 {offsets = [2, 0], sizes = [1, 512], strides = [1, 1]} : vector<4x512xf32> to vector<1x512xf32>
      %mul3A_1661 = vector.broadcast %slice3A_1660 : vector<1x512xf32> to vector<256x512xf32>
      %mul3A_1662 = arith.mulf %dot_general3A_1659, %mul3A_1661 : vector<256x512xf32>
      %add3A_1663 = arith.addf %add3A_1652, %mul3A_1662 : vector<256x512xf32>
      %get3A_1664 = arith.constant 3 : index
      %get3A_1665 = arith.constant 0 : index
      %get3A_1666 = arith.constant 0 : index
      %get3A_1667 = vector.load %arg4[%get3A_1664, %get3A_1665, %get3A_1666] : memref<4x256x256xbf16, #tpu.memory_space<vmem>>, vector<1x256x256xbf16>
      %get3A_1668 = vector.shape_cast %get3A_1667 : vector<1x256x256xbf16> to vector<256x256xbf16>
      %dot_general3A_1669 = arith.constant dense<0.000000e+00> : vector<256x512xf32>
      %dot_general3A_1670 = tpu.matmul %get3A_1668, %convert_element_type3A_1630, %dot_general3A_1669 {dimension_numbers = #tpu.dot_dimension_numbers<[1], [0], [0], [1], [0, 0, 1, 1], [], []>, transpose_lhs_hint = false} : vector<256x256xbf16>, vector<256x512xbf16>, vector<256x512xf32> -> vector<256x512xf32>
      %slice3A_1671 = vector.extract_strided_slice %get3A_1564 {offsets = [3, 0], sizes = [1, 512], strides = [1, 1]} : vector<4x512xf32> to vector<1x512xf32>
      %mul3A_1672 = vector.broadcast %slice3A_1671 : vector<1x512xf32> to vector<256x512xf32>
      %mul3A_1673 = arith.mulf %dot_general3A_1670, %mul3A_1672 : vector<256x512xf32>
      %add3A_1674 = arith.addf %add3A_1663, %mul3A_1673 : vector<256x512xf32>
      %slice3A_1675 = vector.extract_strided_slice %get3A_1569 {offsets = [0, 0], sizes = [1, 512], strides = [1, 1]} : vector<2x512xf32> to vector<1x512xf32>
      %mul3A_1676 = vector.broadcast %slice3A_1675 : vector<1x512xf32> to vector<16x512xf32>
      %mul3A_1677 = arith.mulf %get3A_1559, %mul3A_1676 : vector<16x512xf32>
      %slice3A_1678 = vector.extract_strided_slice %get3A_1569 {offsets = [1, 0], sizes = [1, 512], strides = [1, 1]} : vector<2x512xf32> to vector<1x512xf32>
      %mul3A_1679 = vector.broadcast %slice3A_1678 : vector<1x512xf32> to vector<16x512xf32>
      %mul3A_1680 = arith.mulf %get3A_1559, %mul3A_1679 : vector<16x512xf32>
      %concatenate3A_1681 = tpu.concatenate %mul3A_1677, %mul3A_1680 in 0 : vector<16x512xf32>, vector<16x512xf32> -> vector<32x512xf32>
      %get3A_1682 = arith.constant 0 : index
      %get3A_1683 = arith.constant 0 : index
      %get3A_1684 = vector.load %arg5[%get3A_1682, %get3A_1683] : memref<256x32xf32, #tpu.memory_space<vmem>>, vector<256x32xf32>
      %dot_general3A_1685 = arith.constant dense<0.000000e+00> : vector<256x512xf32>
      %dot_general3A_1686 = tpu.matmul %get3A_1684, %concatenate3A_1681, %dot_general3A_1685 {dimension_numbers = #tpu.dot_dimension_numbers<[1], [0], [0], [1], [0, 0, 1, 1], [], []>, transpose_lhs_hint = false} : vector<256x32xf32>, vector<32x512xf32>, vector<256x512xf32> -> vector<256x512xf32>
      %add3A_1687 = arith.addf %add3A_1674, %dot_general3A_1686 : vector<256x512xf32>
      %slice3A_1688 = vector.extract_strided_slice %add3A_1687 {offsets = [0, 0], sizes = [16, 512], strides = [1, 1]} : vector<256x512xf32> to vector<16x512xf32>
      %slice3A_1689 = vector.extract_strided_slice %get3A_1559 {offsets = [0, 0], sizes = [1, 512], strides = [1, 1]} : vector<16x512xf32> to vector<1x512xf32>
      %mul3A_1690 = vector.broadcast %slice3A_1689 : vector<1x512xf32> to vector<16x512xf32>
      %mul3A_1691 = arith.mulf %slice3A_1688, %mul3A_1690 : vector<16x512xf32>
      %slice3A_1692 = vector.extract_strided_slice %add3A_1687 {offsets = [16, 0], sizes = [16, 512], strides = [1, 1]} : vector<256x512xf32> to vector<16x512xf32>
      %slice3A_1693 = vector.extract_strided_slice %get3A_1559 {offsets = [1, 0], sizes = [1, 512], strides = [1, 1]} : vector<16x512xf32> to vector<1x512xf32>
      %mul3A_1694 = vector.broadcast %slice3A_1693 : vector<1x512xf32> to vector<16x512xf32>
      %mul3A_1695 = arith.mulf %slice3A_1692, %mul3A_1694 : vector<16x512xf32>
      %add3A_1696 = arith.addf %mul3A_1691, %mul3A_1695 : vector<16x512xf32>
      %slice3A_1697 = vector.extract_strided_slice %add3A_1687 {offsets = [32, 0], sizes = [16, 512], strides = [1, 1]} : vector<256x512xf32> to vector<16x512xf32>
      %slice3A_1698 = vector.extract_strided_slice %get3A_1559 {offsets = [2, 0], sizes = [1, 512], strides = [1, 1]} : vector<16x512xf32> to vector<1x512xf32>
      %mul3A_1699 = vector.broadcast %slice3A_1698 : vector<1x512xf32> to vector<16x512xf32>
      %mul3A_1700 = arith.mulf %slice3A_1697, %mul3A_1699 : vector<16x512xf32>
      %add3A_1701 = arith.addf %add3A_1696, %mul3A_1700 : vector<16x512xf32>
      %slice3A_1702 = vector.extract_strided_slice %add3A_1687 {offsets = [48, 0], sizes = [16, 512], strides = [1, 1]} : vector<256x512xf32> to vector<16x512xf32>
      %slice3A_1703 = vector.extract_strided_slice %get3A_1559 {offsets = [3, 0], sizes = [1, 512], strides = [1, 1]} : vector<16x512xf32> to vector<1x512xf32>
      %mul3A_1704 = vector.broadcast %slice3A_1703 : vector<1x512xf32> to vector<16x512xf32>
      %mul3A_1705 = arith.mulf %slice3A_1702, %mul3A_1704 : vector<16x512xf32>
      %add3A_1706 = arith.addf %add3A_1701, %mul3A_1705 : vector<16x512xf32>
      %slice3A_1707 = vector.extract_strided_slice %add3A_1687 {offsets = [64, 0], sizes = [16, 512], strides = [1, 1]} : vector<256x512xf32> to vector<16x512xf32>
      %slice3A_1708 = vector.extract_strided_slice %get3A_1559 {offsets = [4, 0], sizes = [1, 512], strides = [1, 1]} : vector<16x512xf32> to vector<1x512xf32>
      %mul3A_1709 = vector.broadcast %slice3A_1708 : vector<1x512xf32> to vector<16x512xf32>
      %mul3A_1710 = arith.mulf %slice3A_1707, %mul3A_1709 : vector<16x512xf32>
      %add3A_1711 = arith.addf %add3A_1706, %mul3A_1710 : vector<16x512xf32>
      %slice3A_1712 = vector.extract_strided_slice %add3A_1687 {offsets = [80, 0], sizes = [16, 512], strides = [1, 1]} : vector<256x512xf32> to vector<16x512xf32>
      %slice3A_1713 = vector.extract_strided_slice %get3A_1559 {offsets = [5, 0], sizes = [1, 512], strides = [1, 1]} : vector<16x512xf32> to vector<1x512xf32>
      %mul3A_1714 = vector.broadcast %slice3A_1713 : vector<1x512xf32> to vector<16x512xf32>
      %mul3A_1715 = arith.mulf %slice3A_1712, %mul3A_1714 : vector<16x512xf32>
      %add3A_1716 = arith.addf %add3A_1711, %mul3A_1715 : vector<16x512xf32>
      %slice3A_1717 = vector.extract_strided_slice %add3A_1687 {offsets = [96, 0], sizes = [16, 512], strides = [1, 1]} : vector<256x512xf32> to vector<16x512xf32>
      %slice3A_1718 = vector.extract_strided_slice %get3A_1559 {offsets = [6, 0], sizes = [1, 512], strides = [1, 1]} : vector<16x512xf32> to vector<1x512xf32>
      %mul3A_1719 = vector.broadcast %slice3A_1718 : vector<1x512xf32> to vector<16x512xf32>
      %mul3A_1720 = arith.mulf %slice3A_1717, %mul3A_1719 : vector<16x512xf32>
      %add3A_1721 = arith.addf %add3A_1716, %mul3A_1720 : vector<16x512xf32>
      %slice3A_1722 = vector.extract_strided_slice %add3A_1687 {offsets = [112, 0], sizes = [16, 512], strides = [1, 1]} : vector<256x512xf32> to vector<16x512xf32>
      %slice3A_1723 = vector.extract_strided_slice %get3A_1559 {offsets = [7, 0], sizes = [1, 512], strides = [1, 1]} : vector<16x512xf32> to vector<1x512xf32>
      %mul3A_1724 = vector.broadcast %slice3A_1723 : vector<1x512xf32> to vector<16x512xf32>
      %mul3A_1725 = arith.mulf %slice3A_1722, %mul3A_1724 : vector<16x512xf32>
      %add3A_1726 = arith.addf %add3A_1721, %mul3A_1725 : vector<16x512xf32>
      %slice3A_1727 = vector.extract_strided_slice %add3A_1687 {offsets = [128, 0], sizes = [16, 512], strides = [1, 1]} : vector<256x512xf32> to vector<16x512xf32>
      %slice3A_1728 = vector.extract_strided_slice %get3A_1559 {offsets = [8, 0], sizes = [1, 512], strides = [1, 1]} : vector<16x512xf32> to vector<1x512xf32>
      %mul3A_1729 = vector.broadcast %slice3A_1728 : vector<1x512xf32> to vector<16x512xf32>
      %mul3A_1730 = arith.mulf %slice3A_1727, %mul3A_1729 : vector<16x512xf32>
      %add3A_1731 = arith.addf %add3A_1726, %mul3A_1730 : vector<16x512xf32>
      %slice3A_1732 = vector.extract_strided_slice %add3A_1687 {offsets = [144, 0], sizes = [16, 512], strides = [1, 1]} : vector<256x512xf32> to vector<16x512xf32>
      %slice3A_1733 = vector.extract_strided_slice %get3A_1559 {offsets = [9, 0], sizes = [1, 512], strides = [1, 1]} : vector<16x512xf32> to vector<1x512xf32>
      %mul3A_1734 = vector.broadcast %slice3A_1733 : vector<1x512xf32> to vector<16x512xf32>
      %mul3A_1735 = arith.mulf %slice3A_1732, %mul3A_1734 : vector<16x512xf32>
      %add3A_1736 = arith.addf %add3A_1731, %mul3A_1735 : vector<16x512xf32>
      %slice3A_1737 = vector.extract_strided_slice %add3A_1687 {offsets = [160, 0], sizes = [16, 512], strides = [1, 1]} : vector<256x512xf32> to vector<16x512xf32>
      %slice3A_1738 = vector.extract_strided_slice %get3A_1559 {offsets = [10, 0], sizes = [1, 512], strides = [1, 1]} : vector<16x512xf32> to vector<1x512xf32>
      %mul3A_1739 = vector.broadcast %slice3A_1738 : vector<1x512xf32> to vector<16x512xf32>
      %mul3A_1740 = arith.mulf %slice3A_1737, %mul3A_1739 : vector<16x512xf32>
      %add3A_1741 = arith.addf %add3A_1736, %mul3A_1740 : vector<16x512xf32>
      %slice3A_1742 = vector.extract_strided_slice %add3A_1687 {offsets = [176, 0], sizes = [16, 512], strides = [1, 1]} : vector<256x512xf32> to vector<16x512xf32>
      %slice3A_1743 = vector.extract_strided_slice %get3A_1559 {offsets = [11, 0], sizes = [1, 512], strides = [1, 1]} : vector<16x512xf32> to vector<1x512xf32>
      %mul3A_1744 = vector.broadcast %slice3A_1743 : vector<1x512xf32> to vector<16x512xf32>
      %mul3A_1745 = arith.mulf %slice3A_1742, %mul3A_1744 : vector<16x512xf32>
      %add3A_1746 = arith.addf %add3A_1741, %mul3A_1745 : vector<16x512xf32>
      %slice3A_1747 = vector.extract_strided_slice %add3A_1687 {offsets = [192, 0], sizes = [16, 512], strides = [1, 1]} : vector<256x512xf32> to vector<16x512xf32>
      %slice3A_1748 = vector.extract_strided_slice %get3A_1559 {offsets = [12, 0], sizes = [1, 512], strides = [1, 1]} : vector<16x512xf32> to vector<1x512xf32>
      %mul3A_1749 = vector.broadcast %slice3A_1748 : vector<1x512xf32> to vector<16x512xf32>
      %mul3A_1750 = arith.mulf %slice3A_1747, %mul3A_1749 : vector<16x512xf32>
      %add3A_1751 = arith.addf %add3A_1746, %mul3A_1750 : vector<16x512xf32>
      %slice3A_1752 = vector.extract_strided_slice %add3A_1687 {offsets = [208, 0], sizes = [16, 512], strides = [1, 1]} : vector<256x512xf32> to vector<16x512xf32>
      %slice3A_1753 = vector.extract_strided_slice %get3A_1559 {offsets = [13, 0], sizes = [1, 512], strides = [1, 1]} : vector<16x512xf32> to vector<1x512xf32>
      %mul3A_1754 = vector.broadcast %slice3A_1753 : vector<1x512xf32> to vector<16x512xf32>
      %mul3A_1755 = arith.mulf %slice3A_1752, %mul3A_1754 : vector<16x512xf32>
      %add3A_1756 = arith.addf %add3A_1751, %mul3A_1755 : vector<16x512xf32>
      %slice3A_1757 = vector.extract_strided_slice %add3A_1687 {offsets = [224, 0], sizes = [16, 512], strides = [1, 1]} : vector<256x512xf32> to vector<16x512xf32>
      %slice3A_1758 = vector.extract_strided_slice %get3A_1559 {offsets = [14, 0], sizes = [1, 512], strides = [1, 1]} : vector<16x512xf32> to vector<1x512xf32>
      %mul3A_1759 = vector.broadcast %slice3A_1758 : vector<1x512xf32> to vector<16x512xf32>
      %mul3A_1760 = arith.mulf %slice3A_1757, %mul3A_1759 : vector<16x512xf32>
      %add3A_1761 = arith.addf %add3A_1756, %mul3A_1760 : vector<16x512xf32>
      %slice3A_1762 = vector.extract_strided_slice %add3A_1687 {offsets = [240, 0], sizes = [16, 512], strides = [1, 1]} : vector<256x512xf32> to vector<16x512xf32>
      %slice3A_1763 = vector.extract_strided_slice %get3A_1559 {offsets = [15, 0], sizes = [1, 512], strides = [1, 1]} : vector<16x512xf32> to vector<1x512xf32>
      %mul3A_1764 = vector.broadcast %slice3A_1763 : vector<1x512xf32> to vector<16x512xf32>
      %mul3A_1765 = arith.mulf %slice3A_1762, %mul3A_1764 : vector<16x512xf32>
      %add3A_1766 = arith.addf %add3A_1761, %mul3A_1765 : vector<16x512xf32>
      %swap3A_1767 = arith.index_cast %add3A_1554 : i32 to index
      %swap3A_1768 = arith.constant 0 : index
      %swap3A_1769 = arith.constant 0 : index
      %swap3A_1770 = vector.load %arg7[%swap3A_1767, %swap3A_1768, %swap3A_1769] : memref<64x16x512xf32, #tpu.memory_space<vmem>>, vector<1x16x512xf32>
      %swap3A_1771 = vector.shape_cast %swap3A_1770 : vector<1x16x512xf32> to vector<16x512xf32>
      %swap3A_1772 = vector.shape_cast %add3A_1766 : vector<16x512xf32> to vector<1x16x512xf32>
      tpu.vector_store %arg7[%swap3A_1767, %swap3A_1768, %swap3A_1769], %swap3A_1772 {strides = array<i32>} : memref<64x16x512xf32, #tpu.memory_space<vmem>>, vector<1x16x512xf32>,
    }
    %scan3A_3 = arith.constant 8 : i32
    return
  }
}

</mosaic_0001>

<sc_bundles>
// kernel: kernel.4.cloned.1.call-start
scs
__scs_entry_jumppad:
0x0: {  	(pc) =	sbr.rel $0x88, $3  }
0x1: {  	(tag) =	ssettag $0x0;
	lr =	simm.s32 $0x1  }
0x2: {  	[smem:$0x3F99] =	sst lr;
	_ =	strace $0xD0000000  }
0x3: {  	_ = 	snop  }
0x4: {  	_ = 	snop  }
0x5: {  	_ = 	snop  }
0x6: {  	_ = 	snop  }
0x7: {  	_ = 	snop  }
__scs_overlays_trampoline_lowered:
0x8: {  	[smem:$0x3FA8] =	sst s0  }
0x9: {  	[smem:$0x3FA9] =	sst s1  }
0xa: {  	[smem:$0x3FAA] =	sst s2  }
0xb: {  	[smem:$0x3FAB] =	sst s3  }
0xc: {  	[smem:$0x3FAC] =	sst s4  }
0xd: {  	[smem:$0x3FAD] =	sst s5  }
0xe: {  	[smem:$0x3FAE] =	sst s6  }
0xf: {  	[smem:$0x3FAF] =	sst s7  }
0x10: {  	[smem:$0x3FB0] =	sst s8  }
0x11: {  	[smem:$0x3FB1] =	sst s9;
	s0 =	simm.s32 @!p0 $0x0  }
0x12: {  	s1 =	sld [smem:$0x3F97];
	s0 =	simm.s32 @p0 $0x1  }
0x13: {  	[smem:$0x3FB2] =	sst s0;
	s0 =	simm.s32 @!p1 $0x0  }
0x14: {  	s2 =	sld [smem:$0x3F96];
	s0 =	simm.s32 @p1 $0x1  }
0x15: {  	[smem:$0x3FB3] =	sst s0;
	s0 =	simm.s32 @!p2 $0x0  }
0x16: {  	s3 =	sld [smem:$0x3FDB];
	s0 =	simm.s32 @p2 $0x1  }
0x17: {  	s4 =	simm.s32 $0x1BF5;
	[smem:$0x3FB5] =	sst s0  }
0x18: {  	s0 =	sld [smem:$0x3F98];
	_ =	swait.ge [sflag:s4], $0x0  }
0x19: {  	s7 =	sld [smem:$0x3F99]  }
0x1a: {  	s8 =	sadd.s32 $0xFFFFE003, lr  }
0x1b: {  	s9 =	sadd.s32 $0xFFFFFEF7, lr;
	s5 =	simm.s32 $0xFFFFFFFF;
	p2 =	slt.u32 s8, $0xFFFFF086  }
0x1c: {  	p1 =	slt.u32 s9, $0xF7A;
	s5 =	simm.s32 @!p2 $0x0  }
0x1d: {  	s5 =	simm.s32 @p1 $0x1;
	p0 =	seq.s32 s7, s2  }
0x1e: {  	s7 =	smul.u32 @!p0 $0xF7A, s2;
	p2 =	seq.s32 @!p0 s5, $0x0  }
0x1f: {  	s9 =	smul.u32 $0xF7A, s1;
	s8 =	simm.s32 @!p0 $0x1BF5;
	p2 =	por !p2, p0  }
0x20: {  	[sflag:s8] =	ssyncset.s32 @!p0 $0xFFFFF086;
	s6 =	sadd.s32 @!p0 s3, s7;
	s7 =	simm.s32 @!p0 $0x108  }
0x21: {  	s3 =	sadd.s32 s3, s9;
	s6 =	sadd.s32 @!p0 $0x88, s6;
	s7 =	simm.s32 @p2 $0x1082  }
0x22: {  	[simem:s7], [sflag:s8] =	dma.local @!p0 [hbm:s6], $0xF7A  }
0x23: {  	s9 =	sor.u32 $0xD0000000, s2;
	s6 =	simm.s32 $0x108;
	_ =	swait.ge @!p0 [sflag:s8], $0x0  }
0x24: {  	s3 =	sadd.s32 $0x88, s3;
	s6 =	simm.s32 @!p1 $0x1082;
	[sflag:s4] =	ssyncset.s32 $0xFFFFF086  }
0x25: {  	[simem:s6], [sflag:s4] =	dma.local [hbm:s3], $0xF7A  }
0x26: {  	[smem:$0x3F99] =	sst s1;
	(tag) =	ssettag s2;
	_ =	strace s9  }
0x27: {  	s1 =	sld [smem:$0x3FA9]  }
0x28: {  	s2 =	sld [smem:$0x3FAA]  }
0x29: {  	s4 =	sld [smem:$0x3FAC]  }
0x2a: {  	p0 =	seq.s32 s5, $0x0;
	s5 =	sld [smem:$0x3FAD]  }
0x2b: {  	s6 =	sld [smem:$0x3FAE]  }
0x2c: {  	s7 =	sld [smem:$0x3FAF]  }
0x2d: {  	s3 =	simm.s32 $0x108;
	s8 =	sld [smem:$0x3FB0]  }
0x2e: {  	s3 =	simm.s32 @!p0 $0x1082;
	s9 =	sld [smem:$0x3FB1]  }
0x2f: {  	lr =	sadd.s32 s0, s3;
	s0 =	sld [smem:$0x3FA8]  }
0x30: {  	s3 =	sld [smem:$0x3FAB]  }
0x31: {  	[smem:$0x3FB4] =	sst s10  }
0x32: {  	s10 =	sld [smem:$0x3FB2];
	_ =	sdelay $0x3  }
0x33: {  	p0 =	seq.s32 s10, $0x1;
	s10 =	sld [smem:$0x3FB4];
	_ =	sdelay $0x3  }
0x34: {  	[smem:$0x3FB4] =	sst s10  }
0x35: {  	s10 =	sld [smem:$0x3FB3];
	_ =	sdelay $0x3  }
0x36: {  	p1 =	seq.s32 s10, $0x1;
	s10 =	sld [smem:$0x3FB4];
	_ =	sdelay $0x3  }
0x37: {  	[smem:$0x3FB4] =	sst s10  }
0x38: {  	s10 =	sld [smem:$0x3FB5]  }
0x39: {  	_ = 	snop;
	(pc) =	sbr.ind lr, $3  }
0x3a: {  	_ = 	snop  }
0x3b: {  	_ = 	snop  }
0x3c: {  	p2 =	seq.s32 s10, $0x1;
	s10 =	sld [smem:$0x3FB4]  }
0x3d: {  	_ =	shalt  }
0x3e: {  	_ =	shalt  }
0x3f: {  	_ =	shalt  }
0x40: {  	_ =	shalt  }
0x41: {  	_ =	shalt  }
0x42: {  	_ =	shalt  }
0x43: {  	_ =	shalt  }
0x44: {  	_ =	shalt  }
0x45: {  	_ =	shalt  }
0x46: {  	_ =	shalt  }
0x47: {  	_ =	shalt  }
0x48: {  	_ =	shalt  }
0x49: {  	_ =	shalt  }
0x4a: {  	_ =	shalt  }
0x4b: {  	_ =	shalt  }
0x4c: {  	_ =	shalt  }
0x4d: {  	_ =	shalt  }
0x4e: {  	_ =	shalt  }
0x4f: {  	_ =	shalt  }
0x50: {  	_ =	shalt  }
0x51: {  	_ =	shalt  }
0x52: {  	_ =	shalt  }
0x53: {  	_ =	shalt  }
0x54: {  	_ =	shalt  }
0x55: {  	_ =	shalt  }
0x56: {  	_ =	shalt  }
0x57: {  	_ =	shalt  }
0x58: {  	_ =	shalt  }
0x59: {  	_ =	shalt  }
0x5a: {  	_ =	shalt  }
0x5b: {  	_ =	shalt  }
0x5c: {  	_ =	shalt  }
0x5d: {  	_ =	shalt  }
0x5e: {  	_ =	shalt  }
0x5f: {  	_ =	shalt  }
0x60: {  	_ =	shalt  }
0x61: {  	_ =	shalt  }
0x62: {  	_ =	shalt  }
0x63: {  	_ =	shalt  }
0x64: {  	_ =	shalt  }
0x65: {  	_ =	shalt  }
0x66: {  	_ =	shalt  }
0x67: {  	_ =	shalt  }
0x68: {  	_ =	shalt  }
0x69: {  	_ =	shalt  }
0x6a: {  	_ =	shalt  }
0x6b: {  	_ =	shalt  }
0x6c: {  	_ =	shalt  }
0x6d: {  	_ =	shalt  }
0x6e: {  	_ =	shalt  }
0x6f: {  	_ =	shalt  }
0x70: {  	_ =	shalt  }
0x71: {  	_ =	shalt  }
0x72: {  	_ =	shalt  }
0x73: {  	_ =	shalt  }
0x74: {  	_ =	shalt  }
0x75: {  	_ =	shalt  }
0x76: {  	_ =	shalt  }
0x77: {  	_ =	shalt  }
0x78: {  	_ =	shalt  }
0x79: {  	_ =	shalt  }
0x7a: {  	_ =	shalt  }
0x7b: {  	_ =	shalt  }
0x7c: {  	_ =	shalt  }
0x7d: {  	_ =	shalt  }
0x7e: {  	_ =	shalt  }
0x7f: {  	_ =	shalt  }
0x80: {  	_ =	shalt  }
0x81: {  	_ =	shalt  }
0x82: {  	_ =	shalt  }
0x83: {  	_ =	shalt  }
0x84: {  	_ =	shalt  }
0x85: {  	_ =	shalt  }
0x86: {  	_ =	shalt  }
0x87: {  	_ =	shalt  }
.Lfunc_end0:
.L_simem_size_0:
called_computation_lowered:
.L_overlay_start_0:
0x88: {  	s2 =	sld [smem:$0x3FD9]  }
0x89: {  	s3 =	sld [smem:$0x3FFE];
	_ =	sdelay $0x1  }
0x8a: {  	s1 =	srdreg.scid  }
0x8b: {  	s0 =	sand.u32 $0x1, s1  }
0x8c: {  	s17 =	sshll.u32 s0, $0xA;
	s2 =	sadd.s32 s3, s2  }
0x8d: {  	s2 =	sadd.s32 s2, s17  }
0x8e: {  	[smem:$0x3FC0] =	sst s2  }
0x8f: {  	_ = 	snop  }
0x90: {  	s2 =	sld [smem:$0x3FC8]  }
0x91: {  	s18 =	sld [smem:$0x3FD0];
	(tm) =	ssettm $0x1  }
0x92: {  	s4 =	sld [smem:$0x3FFB];
	_ =	sdelay $0x3  }
0x93: {  	_ =	strace s4  }
0x94: {  	s4 =	sld [smem:$0x3FFC];
	_ =	sdelay $0x3  }
0x95: {  	_ =	strace s4  }
0x96: {  	s4 =	sld [smem:$0x3FFD];
	_ =	sdelay $0x3  }
0x97: {  	_ =	strace s4  }
0x98: {  	_ =	strace $0x8FFFFFFF  }
0x99: {  	s19 =	sld [smem:$0x3FDB];
	_ =	sdelay $0x1  }
0x9a: {  	s5 =	simm.s32 $_scs_section_size  }
0x9b: {  	s6 =	simm.s32 $_size__tile_overlayer_lowered;
	s7 =	simm.s32 $_tile_overlayer_lowered  }
0x9c: {  	s22 =	simm.s32 $0x1BFF;
	s21 =	sshll.u32 s7, $0x1;
	s4 =	sadd.s32 s5, s19  }
0x9d: {  	s8 =	simm.s32 $0x0;
	s20 =	sshll.u32 s6, $0x1;
	s6 =	sadd.s32 s21, s4  }
0x9e: {  	[timem:s8], [sflag:s22] =	dma.local [hbm:s6], s20  }
0x9f: {  	_ =	swait.ge [sflag:s22], s20  }
0xa0: {  	s5 =	ssub.s32 $0x0, s20;
	[sflag:s22] =	ssyncset.done $0x0  }
0xa1: {  	[sflag:s22] =	ssyncadd.s32 s5;
	_ =	sdelay $0x1  }
0xa2: {  	s23 =	simm.s32 $0x1B8B  }
0xa3: {  	_ =	swait.ge [sflag:s23], $0x1  }
0xa4: {  	[sflag:s23] =	ssyncset.done $0x0  }
0xa5: {  	s25 =	simm.s32 $0x1B8E;
	s24 =	sld [smem:$0x3FFE];
	[sflag:s23] =	ssyncadd.s32 $0xFFFFFFFF  }
0xa6: {  	s26 =	simm.s32 $execute0_lowered;
	[smem:$0x3FD2] =	sst s25  }
0xa7: {  	s6 =	sshll.u32 s26, $0x1;
	_ =	strace $0x80000046;
	[dreg:$0x1] =	wrdreg $0xFFFFFFFF  }
0xa8: {  	s28 =	simm.s32 $_size_execute0_lowered;
	s4 =	sadd.s32 s4, s6;
	[dreg:$0x0] =	wrdreg $0x0  }
0xa9: {  	s6 =	sshll.u32 s28, $0x1;
	[dreg:$0x2] =	wrdreg s4  }
0xaa: {  	[dreg:$0x3] =	wrdreg s6  }
0xab: {  	[dreg:$0x4] =	wrdreg $0xC0  }
0xac: {  	_ =	task [dreg:s8], $0x5FFFF  }
0xad: {  	[dreg:$0x1] =	wrdreg $0xFFFFFFFF  }
0xae: {  	[dreg:$0x0] =	wrdreg $0x60  }
0xaf: {  	[dreg:$0x2] =	wrdreg s24  }
0xb0: {  	[dreg:$0x3] =	wrdreg s2  }
0xb1: {  	[dreg:$0x4] =	wrdreg s18  }
0xb2: {  	[dreg:$0x5] =	wrdreg $0x9  }
0xb3: {  	_ =	task.clear_ibuf [dreg:s8], $0x6FFFF;
	_ =	strace $0x90000046  }
0xb4: {  	s29 =	simm.s32 $0x9;
	_ =	strace $0x80000048  }
0xb5: {  	_ =	swait.ge [sflag:s29], $0x1  }
0xb6: {  	[sflag:s29] =	ssyncadd.s32 $0xFFFFFFFF  }
0xb7: {  	_ =	strace $0x90000048  }
0xb8: {  	_ =	sfence  }
0xb9: {  	s30 =	sld [smem:$0x0];
	_ =	sdelay $0x2  }
0xba: {  	s31 =	sshll.u32 s1, $0xD;
	s1 =	sshrl.u32 s1, $0x2  }
0xbb: {  	s3 =	sand.u32 $0x4000, s31;
	s1 =	sadd.s32 s1, s30  }
0xbc: {  	s0 =	sor.u32 s3, s0;
	s1 =	sshll.u32 s1, $0x11  }
0xbd: {  	s0 =	sor.u32 s1, s0  }
0xbe: {  	s0 =	sadd.s32 $0x8F2B, s0  }
0xbf: {  	[sflag:s0] =	ssyncadd.remote.s32 $0x1  }
0xc0: {  	_ =	sfence.sel $0xFFFF  }
0xc1: {  	[dreg:$0x0] =	wrdreg $0xFFFFFFFF;
	(pc) =	sbr.abs _section_cstart, $3  }
0xc2: {  	[dreg:$0x1] =	wrdreg $0xFFFFFFFF  }
0xc3: {  	_ =	task.clear_ibuf [dreg:s8], $0x2FFFF;
	_ =	strace $0x9FFFFFFF  }
0xc4: {  	(tm) =	ssettm $0x7FFFFFFF  }
0xc5: {  	_ =	shalt  }
tec
execute0_lowered:
.L_overlay_start_1:
0x0: {  	(tag) =	ssettag $0x1  }
0x1: {  	s7 =	rddreg [dreg:$0x0];
	s1 =	srdreg.scid  }
0x2: {  	s3 =	rddreg [dreg:$0x1];
	s0 =	stileid.u32;
	s10 =	sand.u32 $0x1, s1  }
0x3: {  	s12 =	rddreg [dreg:$0x2];
	s4 =	sshll.u32 s0, $0x5;
	s5 =	sshll.u32 s10, $0x4  }
0x4: {  	s2 =	simm.s32 $0x0;
	s1 =	rddreg [dreg:$0x3];
	s13 =	sor.u32 s5, s4  }
0x5: {  	[smem:$0x7FF] =	sst s2;
	s4 =	sshrl.u32 s13, $0x3  }
0x6: {  	_ =	strace $0x80000047;
	s4 =	sadd.s32 s3, s4;
	s3 =	simm.s32 $0x2  }
0x7: {  	[tilespmem:s2], [sflag:$0x2] =	stream.linear.gather [hbm4b:s4+s2], $0x10, $0x38;
	[tilespmem:$0x2080] =	vst v63  }
0x8: {  	_ =	swait.ge [sflag:s3], $0x10  }
0x9: {  	[sflag:s3] =	ssyncset.done $0x0  }
0xa: {  	[sflag:s3] =	ssyncadd.s32 $0xFFFFFFF0  }
0xb: {  	v0 =	vld [tilespmem:$0x0];
	_ =	sdelay $0x4  }
0xc: {  	v1 =	vshll.u32 v0, $0x2  }
0xd: {  	v2 =	vlaneseq.u32;
	v3 =	vand.u32 $0x7, v0;
	v1 =	vand.u32 $0xFFFFFFE0, v1  }
0xe: {  	v4 =	vshrl.u32 v2, $0x3;
	v0 =	vand.u32 $0x7, v2;
	v3 =	vor.u32 v3, v1  }
0xf: {  	v1 =	vmul.u32 $0x8, v4;
	v63 =	vperm.xlane v3, v0;
	_ =	sdelay $0x1  }
0x10: {  	v4 =	vadd.s32 v1, v63  }
0x11: {  	v2 =	vor.u32 $0x8, v2  }
0x12: {  	v3 =	vperm.xlane v3, v2;
	_ =	sdelay $0x1  }
0x13: {  	vm0 =	vmmov $0xffff;
	s6 =	simm.s32 $0x80;
	s14 =	ssub.s32 $0x2, s10;
	s5 =	sadd.s32 $0x1200, s7;
	v3 =	vadd.s32 v1, v3  }
0x14: {  	[tilespmem:s6], [sflag:$0x1] =	stream.indirect_vreg.gather [hbm4b:s5+s2], $0x80, v4, vm0, $0xb8;
	[tilespmem:$0x2080] =	vst v63  }
0x15: {  	s8 =	simm.s32 $0x880;
	s7 =	sadd.s32 $0x1300, s7;
	s15 =	sshrl.u32 s14, $0x1  }
0x16: {  	[tilespmem:s8], [sflag:$0x1] =	stream.indirect_vreg.gather [hbm4b:s7+s2], $0x80, v4, vm0, $0xb8;
	[tilespmem:$0x2080] =	vst v63  }
0x17: {  	s9 =	simm.s32 $0x1080;
	s14 =	ssub.s32 s14, s15  }
0x18: {  	[tilespmem:s9], [sflag:$0x1] =	stream.indirect_vreg.gather [hbm4b:s5+s2], $0x80, v3, vm0, $0xb8;
	[tilespmem:$0x2080] =	vst v63  }
0x19: {  	s11 =	simm.s32 $0x1;
	s10 =	simm.s32 $0x1880;
	s31 =	smax.u32 s14, $0x1  }
0x1a: {  	[tilespmem:s10], [sflag:$0x1] =	stream.indirect_vreg.gather [hbm4b:s7+s2], $0x80, v3, vm0, $0xb8;
	[tilespmem:$0x2080] =	vst v63  }
0x1b: {  	p0 =	sne.s32 s31, $0x1;
	_ =	swait.ge [sflag:s11], $0x2000  }
.Ltmp0:
0x1c: {  	s13 =	sshll.u32 s13, $0x6;
	[sflag:s11] =	ssyncset.done $0x0;
	(pc) =	sbr.rel @!p0 .LBB2_2-.Ltmp0, $4  }
0x1d: {  	s12 =	sadd.s32 s12, s13;
	[sflag:s11] =	ssyncadd.s32 $0xFFFFE000  }
0x1e: {  	[hbm4b:s12+s2] =	stream.linear.scatter [tilespmem:s6], [sflag:$0x2], $0x2000, $0x38;
	[tilespmem:$0x2080] =	vst v63  }
0x1f: {  	_ =	swait.ge [sflag:s3], $0x2000  }
0x20: {  	s13 =	sadd.s32 $0xFFFFFFFF, s31;
	[sflag:s3] =	ssyncset.done $0x0  }
.LBB2_1:
0x21: {  	p0 =	sne.s32 s13, $0x1;
	s13 =	sadd.s32 $0xFFFFFFFF, s13;
	[sflag:s3] =	ssyncadd.s32 $0xFFFFE000  }
0x22: {  	[tilespmem:s2], [sflag:$0x2] =	stream.linear.gather [hbm4b:s4+s2], $0x10, $0x38;
	[tilespmem:$0x2080] =	vst v63  }
0x23: {  	_ =	swait.ge [sflag:s3], $0x10  }
0x24: {  	[sflag:s3] =	ssyncset.done $0x0  }
0x25: {  	[sflag:s3] =	ssyncadd.s32 $0xFFFFFFF0  }
0x26: {  	v3 =	vld [tilespmem:$0x0];
	_ =	sdelay $0x4  }
0x27: {  	v4 =	vshll.u32 v3, $0x2  }
0x28: {  	v3 =	vand.u32 $0x7, v3;
	v4 =	vand.u32 $0xFFFFFFE0, v4  }
0x29: {  	v3 =	vor.u32 v3, v4  }
0x2a: {  	v4 =	vperm.xlane v3, v0;
	v3 =	vperm.xlane v3, v2;
	_ =	sdelay $0x1  }
0x2b: {  	v4 =	vadd.s32 v1, v4;
	_ =	sdelay $0x3  }
0x2c: {  	v3 =	vadd.s32 v1, v3  }
0x2d: {  	[tilespmem:s6], [sflag:$0x1] =	stream.indirect_vreg.gather [hbm4b:s5+s2], $0x80, v4, vm0, $0xb8;
	[tilespmem:$0x2080] =	vst v63  }
0x2e: {  	_ = 	snop  }
0x2f: {  	[tilespmem:s8], [sflag:$0x1] =	stream.indirect_vreg.gather [hbm4b:s7+s2], $0x80, v4, vm0, $0xb8;
	[tilespmem:$0x2080] =	vst v63  }
0x30: {  	_ = 	snop  }
0x31: {  	[tilespmem:s9], [sflag:$0x1] =	stream.indirect_vreg.gather [hbm4b:s5+s2], $0x80, v3, vm0, $0xb8;
	[tilespmem:$0x2080] =	vst v63  }
0x32: {  	_ = 	snop  }
0x33: {  	[tilespmem:s10], [sflag:$0x1] =	stream.indirect_vreg.gather [hbm4b:s7+s2], $0x80, v3, vm0, $0xb8;
	[tilespmem:$0x2080] =	vst v63  }
0x34: {  	_ =	swait.ge [sflag:s11], $0x2000  }
.Ltmp1:
0x35: {  	[sflag:s11] =	ssyncset.done $0x0;
	(pc) =	sbr.rel @p0 .LBB2_1-.Ltmp1, $4  }
0x36: {  	[sflag:s11] =	ssyncadd.s32 $0xFFFFE000  }
0x37: {  	[hbm4b:s12+s2] =	stream.linear.scatter [tilespmem:s6], [sflag:$0x2], $0x2000, $0x38;
	[tilespmem:$0x2080] =	vst v63  }
0x38: {  	_ =	swait.ge [sflag:s3], $0x2000  }
0x39: {  	[sflag:s3] =	ssyncset.done $0x0  }
.LBB2_2:
0x3a: {  	[sflag:s3] =	ssyncadd.s32 $0xFFFFE000  }
0x3b: {  	_ =	sfence.sel $0x180000  }
0x3c: {  	[bflag:$0x0] =	sbarrier.arrive $0xFFFF  }
0x3d: {  	p0 =	sne.s32 s0, $0x0;
	_ =	strace $0x90000047  }
0x3e: {  	s0 =	sadd.s32 @!p0 $0x100000, s1;
	[bflag:$0x2] =	sbarrier.arrive $0xFFFF  }
0x3f: {  	[sflag:s0] =	ssyncadd.tile.s32 @!p0 $0x1;
	_ =	shalt  }
.Lfunc_end2:
_tile_overlayer_lowered:
.L_overlay_start_2:
0x40: {  	(tag) =	ssettag $0x2  }
0x41: {  	s0 =	rddreg [dreg:$0x0];
	s2 =	stileid.u32  }
0x42: {  	s1 =	rddreg [dreg:$0x1];
	p0 =	sne.s32 s2, $0x0  }
0x43: {  	s3 =	rddreg [dreg:$0x2];
	[bflag:$0x3] =	sbarrier.arrive $0xFFFF;
	s2 =	simm.s32 @!p0 $0x1C02  }
0x44: {  	[timem:s3], [sflag:s2] =	dma.local @!p0 [hbm:s0], s1  }
0x45: {  	s0 =	simm.s32 @!p0 $0x2  }
0x46: {  	_ =	swait.ge @!p0 [sflag:s0], s1  }
0x47: {  	s1 =	ssub.s32 @!p0 $0x0, s1;
	[sflag:s0] =	ssyncset.done @!p0 $0x0  }
0x48: {  	[sflag:s0] =	ssyncadd.s32 @!p0 s1  }
0x49: {  	[bflag:$0x3] =	sbarrier.arrive $0xFFFF  }
0x4a: {  	_ =	shalt  }

</sc_bundles>
